<compile_context>
chip_gen: v7x
topology: tpu7x:2x2x1
jax: 0.10.2.dev20260603
libtpu: 0.0.44.dev20260713+nightly
codegen_flags: <defaults>
</compile_context>

<pallas_src>
import functools

import jax
import jax.numpy as jnp
from jax import lax
from jax.experimental import pallas as pl
from jax.experimental.pallas import tpu as pltpu
from jax.experimental.pallas import tpu_sc as plsc

N = 10000
D = 128
K = 20
NB = 8
EPS = 1e-5

NPAD = 10240
TR = 256
TN = 128
EPD = NPAD * K

BIG1 = 1e30
BIG2 = 2e30

WIN = 3072


def _knn_pq_body(sinfo_ref, xr_ref, xall_ref, btr_ref, btc_ref,
                 sqr_ref, sqc_ref, wat_ref, wdt_ref, b_ref,
                 idx_ref, p_ref, q_ref, dist_ref):
    i = pl.program_id(0)
    xr = xr_ref[...]

    p_ref[...] = jnp.dot(xr, wat_ref[...],
                         preferred_element_type=jnp.float32) + b_ref[...]
    q_ref[...] = jnp.dot(xr, wdt_ref[...],
                         preferred_element_type=jnp.float32)

    sq_r = sqr_ref[...]
    btr = btr_ref[...]
    a = sinfo_ref[0, i] * 128
    e = sinfo_ref[1, i]
    fast = (e - a) <= WIN
    kio = lax.broadcasted_iota(jnp.int32, (TR, K), 1)

    def build_extract(w, base):
        xw = xall_ref[pl.ds(base, w), :]
        main = lax.dot_general(xr, xw, (((1,), (1,)), ((), ())),
                               preferred_element_type=jnp.float32)
        dist = (sq_r + sqc_ref[:, pl.ds(base, w)]) - 2.0 * main
        colio = lax.broadcasted_iota(jnp.int32, (TR, w), 1)
        gcol = colio + base
        growio = lax.broadcasted_iota(jnp.int32, (TR, w), 0) + i * TR
        valid = (btr == btc_ref[:, pl.ds(base, w)]) & (gcol != growio)
        dist_ref[:, :w] = jnp.where(valid, dist, BIG1)

        def body(k, carry):
            m, jprev, idxacc = carry
            d = dist_ref[:, :w]
            same_j = jnp.min(
                jnp.where((d == m) & (colio > jprev), colio, w),
                axis=1, keepdims=True)
            m2 = jnp.min(jnp.where(d > m, d, BIG2), axis=1,
                         keepdims=True)
            j2 = jnp.min(jnp.where(d == m2, colio, w), axis=1,
                         keepdims=True)
            has_same = same_j < w
            m_new = jnp.where(has_same, m, m2)
            j_new = jnp.where(has_same, same_j, j2)
            return (m_new, j_new,
                    jnp.where(kio == k, j_new + base, idxacc))

        init = (jnp.full((TR, 1), -jnp.inf, jnp.float32),
                jnp.full((TR, 1), -1, jnp.int32),
                jnp.zeros((TR, K), jnp.int32))
        _, _, idx = lax.fori_loop(0, K, body, init)
        idx_ref[...] = idx

    @pl.when(fast)
    def _():
        build_extract(WIN, a)

    @pl.when(jnp.logical_not(fast))
    def _():
        build_extract(NPAD, 0)


def _knn_pq(sinfo, xp, bt_row, bt_col, sq_row, sq_col, wat, wdt, bvec):
    nt = NPAD // TR
    grid_spec = pltpu.PrefetchScalarGridSpec(
        num_scalar_prefetch=1,
        grid=(nt,),
        in_specs=[
            pl.BlockSpec((TR, D), lambda i, s: (i, 0)),
            pl.BlockSpec((NPAD, D), lambda i, s: (0, 0)),
            pl.BlockSpec((TR, 1), lambda i, s: (i, 0)),
            pl.BlockSpec((1, NPAD), lambda i, s: (0, 0)),
            pl.BlockSpec((TR, 1), lambda i, s: (i, 0)),
            pl.BlockSpec((1, NPAD), lambda i, s: (0, 0)),
            pl.BlockSpec((D, D), lambda i, s: (0, 0)),
            pl.BlockSpec((D, D), lambda i, s: (0, 0)),
            pl.BlockSpec((1, D), lambda i, s: (0, 0)),
        ],
        out_specs=[
            pl.BlockSpec((TR, K), lambda i, s: (i, 0)),
            pl.BlockSpec((TR, D), lambda i, s: (i, 0)),
            pl.BlockSpec((TR, D), lambda i, s: (i, 0)),
        ],
        scratch_shapes=[pltpu.VMEM((TR, NPAD), jnp.float32)],
    )
    return pl.pallas_call(
        _knn_pq_body,
        grid_spec=grid_spec,
        out_shape=[
            jax.ShapeDtypeStruct((NPAD, K), jnp.int32),
            jax.ShapeDtypeStruct((NPAD, D), jnp.float32),
            jax.ShapeDtypeStruct((NPAD, D), jnp.float32),
        ],
    )(sinfo, xp, xp, bt_row, bt_col, sq_row, sq_col, wat, wdt, bvec)


_SC_NC = 2
_SC_NS = 16
_SC_NW = _SC_NC * _SC_NS
_SC_BPW = EPD // _SC_NW
_SC_CH = 640
_SC_NCH = _SC_BPW // _SC_CH


def _sc_gather(qp, idx_flat):
    mesh = plsc.VectorSubcoreMesh(core_axis_name="c", subcore_axis_name="s")

    @functools.partial(
        pl.kernel,
        mesh=mesh,
        out_type=jax.ShapeDtypeStruct((EPD, D), jnp.float32),
        scratch_types=[
            pltpu.VMEM((_SC_CH,), jnp.int32),
            pltpu.VMEM((_SC_CH, D), jnp.float32),
            pltpu.SemaphoreType.DMA,
        ],
    )
    def gather_k(q_hbm, idx_hbm, out_hbm, idx_v, rows_v, sem):
        wid = lax.axis_index("s") * _SC_NC + lax.axis_index("c")
        base = wid * _SC_BPW
        for t in range(_SC_NCH):
            off = base + t * _SC_CH
            pltpu.sync_copy(idx_hbm.at[pl.ds(off, _SC_CH)], idx_v)
            pltpu.async_copy(q_hbm.at[idx_v], rows_v, sem).wait()
            pltpu.sync_copy(rows_v, out_hbm.at[pl.ds(off, _SC_CH)])

    return gather_k(qp, idx_flat)


def _stats_body(p_ref, g_ref, s1_ref, s2_ref):
    i = pl.program_id(0)

    @pl.when(i == 0)
    def _():
        s1_ref[...] = jnp.zeros_like(s1_ref)
        s2_ref[...] = jnp.zeros_like(s2_ref)

    rowid = lax.broadcasted_iota(jnp.int32, (TN, 1), 0) + i * TN
    real = (rowid < N)[:, :, None]
    h = p_ref[...][:, None, :] + g_ref[...]
    hm = jnp.where(real, h, 0.0)
    s1_ref[...] += jnp.sum(jnp.sum(hm, axis=1), axis=0, keepdims=True)
    s2_ref[...] += jnp.sum(jnp.sum(hm * hm, axis=1), axis=0, keepdims=True)


def _stats(pp, g3):
    nt = NPAD // TN
    return pl.pallas_call(
        _stats_body,
        grid=(nt,),
        in_specs=[
            pl.BlockSpec((TN, D), lambda i: (i, 0)),
            pl.BlockSpec((TN, K, D), lambda i: (i, 0, 0)),
        ],
        out_specs=[
            pl.BlockSpec((1, D), lambda i: (0, 0)),
            pl.BlockSpec((1, D), lambda i: (0, 0)),
        ],
        out_shape=[
            jax.ShapeDtypeStruct((1, D), jnp.float32),
            jax.ShapeDtypeStruct((1, D), jnp.float32),
        ],
    )(pp, g3)


def _out_body(p_ref, g_ref, a_ref, c_ref, o_ref):
    h = p_ref[...][:, None, :] + g_ref[...]
    y = jnp.maximum(a_ref[...][None] * h + c_ref[...][None], 0.0)
    o_ref[...] = jnp.sum(y, axis=1)


def _out(pp, g3, avec, cvec):
    nt = NPAD // TN
    return pl.pallas_call(
        _out_body,
        grid=(nt,),
        in_specs=[
            pl.BlockSpec((TN, D), lambda i: (i, 0)),
            pl.BlockSpec((TN, K, D), lambda i: (i, 0, 0)),
            pl.BlockSpec((1, D), lambda i: (0, 0)),
            pl.BlockSpec((1, D), lambda i: (0, 0)),
        ],
        out_specs=pl.BlockSpec((TN, D), lambda i: (i, 0)),
        out_shape=jax.ShapeDtypeStruct((NPAD, D), jnp.float32),
    )(pp, g3, avec, cvec)


@jax.jit
def kernel(x, batch, W, b, gamma, beta):
    xp = jnp.zeros((NPAD, D), jnp.float32).at[:N].set(x)
    bp = jnp.concatenate(
        [batch.astype(jnp.int32),
         jnp.full((NPAD - N,), NB, jnp.int32)])
    bt_row = bp[:, None]
    bt_col = bp[None, :]
    sq = jnp.sum(xp * xp, axis=1)
    sq_row = sq[:, None]
    sq_col = sq[None, :]

    heads = bp[::TR]
    tails = bp[TR - 1::TR]
    starts = jnp.searchsorted(bp, heads, side="left").astype(jnp.int32)
    ends = jnp.searchsorted(bp, tails, side="right").astype(jnp.int32)
    astarts = jnp.minimum(starts // 128, (NPAD - WIN) // 128)
    sinfo = jnp.stack([astarts, ends])

    wa = W[:, :D]
    wd = W[:, D:] - wa
    wat = wa.T
    wdt = wd.T
    bvec = b[None, :]

    idx, pp, qp = _knn_pq(sinfo, xp, bt_row, bt_col, sq_row, sq_col,
                          wat, wdt, bvec)

    g = _sc_gather(qp, idx.reshape(-1))
    g3 = g.reshape(NPAD, K, D)

    s1, s2 = _stats(pp, g3)

    e = jnp.float32(N * K)
    mu = s1 / e
    var = s2 / e - mu * mu
    inv = lax.rsqrt(var + EPS)
    avec = gamma[None, :] * inv
    cvec = beta[None, :] - mu * avec

    out = _out(pp, g3, avec, cvec)
    return out[:N]

# --- scband reference (transcript-rebuilt; emitter-appended) ---
"""Pipeline reference for scband-edge-conv-11854109737376 (READ-ONLY COPY).

The authoritative reference and input builder live on the scoring server;
editing this copy changes nothing except your own understanding.
"""

import jax, jax.numpy as jnp
import numpy as np

N = 10000
D = 128
K = 20
NB = 8
EPS = 1e-5


def setup_inputs(seed: int = 0) -> dict:
    key = jax.random.key(seed)
    k1, k2, k3 = jax.random.split(key, 3)
    x = jax.random.normal(k1, (N, D), dtype=jnp.float32)
    batch = jnp.sort(jax.random.randint(k2, (N,), 0, NB)).astype(jnp.int32)
    W = jax.random.normal(k3, (D, 2 * D), dtype=jnp.float32) / np.sqrt(2 * D)
    b = jnp.zeros((D,), dtype=jnp.float32)
    gamma = jnp.ones((D,), dtype=jnp.float32)
    beta = jnp.zeros((D,), dtype=jnp.float32)
    return {"x": x, "batch": batch, "W": W, "b": b, "gamma": gamma, "beta": beta}


def knn_graph(x, batch, k):
    # pairwise squared euclidean distances, masked to same-batch and no self-loops
    sq = jnp.sum(x * x, axis=1)
    dist = sq[:, None] + sq[None, :] - 2.0 * (x @ x.T)
    n = x.shape[0]
    valid = (batch[:, None] == batch[None, :]) & (~jnp.eye(n, dtype=bool))
    dist = jnp.where(valid, dist, jnp.inf)
    idx = jax.lax.top_k(-dist, k)[1]  # [N, k] nearest neighbors per node
    row = jnp.repeat(jnp.arange(n), k)  # center node i (aggregation target)
    col = idx.reshape(-1)               # neighbor node j
    return row, col


def reference(x, batch, W, b, gamma, beta):
    row, col = knn_graph(x, batch, K)
    x_i = jnp.take(x, row, axis=0)
    x_j = jnp.take(x, col, axis=0)
    edge_features = jnp.concatenate([x_i - x_j, x_j], axis=1)  # [E, 2D]
    h = edge_features @ W.T + b  # Linear(2D -> D)
    # BatchNorm1d in training mode (biased batch stats over edge dim)
    mu = jnp.mean(h, axis=0)
    var = jnp.var(h, axis=0)
    h = (h - mu) / jnp.sqrt(var + EPS) * gamma + beta
    h = jax.nn.relu(h)
    out = jnp.zeros_like(x).at[row].add(h)  # scatter_add to center nodes
    return out

if __name__ == "__main__":
    import jax
    _d = setup_inputs()
    print(jax.jit(kernel)(*tuple(_d.values())))

</pallas_src>

<mosaic_0001>
#map = affine_map<(d0, d1) -> (0, 0)>
#map1 = affine_map<(d0, d1) -> (0)>
module attributes {stable_mosaic.version = 14 : i64} {
  func.func @gather_k(%arg0: i32, %arg1: i32, %arg2: memref<10240x128xf32, #tpu.memory_space<hbm>>, %arg3: memref<204800xi32, #tpu.memory_space<hbm>>, %arg4: memref<204800x128xf32, #tpu.memory_space<hbm>>, %arg5: memref<640xi32, #tpu.memory_space<vmem>>, %arg6: memref<640x128xf32, #tpu.memory_space<vmem>>, %arg7: memref<!tpu.dma_semaphore, #tpu.memory_space<semaphore_mem>>) attributes {dimension_semantics = [#tpu.dimension_semantics<core_parallel>, #tpu.dimension_semantics<subcore_parallel>], iteration_bounds = array<i64: 2, 16>, scalar_prefetch = 0 : i64, scratch_operands = 3 : i64, tpu.core_type = #tpu.core_type<sc_vector_subcore>, window_params = [{transform_indices = #map}, {transform_indices = #map1}, {transform_indices = #map}]} {
    %mul3A = arith.constant 2 : i32
    %mul3A_0 = arith.muli %arg1, %mul3A : i32
    %add3A = arith.addi %mul3A_0, %arg0 : i32
    %mul3A_1 = arith.constant 6400 : i32
    %mul3A_2 = arith.muli %add3A, %mul3A_1 : i32
    %add3A_3 = arith.constant 0 : i32
    %add3A_4 = arith.addi %mul3A_2, %add3A_3 : i32
    "tpu.region"() ({
      %run_scoped3A = tpu.sem_alloc : memref<!tpu.dma_semaphore, #tpu.memory_space<semaphore_mem>>
      %dma_start3A_81 = tpu.memref_slice %arg3[%add3A_4] : memref<204800xi32, #tpu.memory_space<hbm>> -> memref<640xi32, #tpu.memory_space<hbm>>
      %dma_start3A_82 = tpu.memref_slice %arg3[%add3A_4] : memref<204800xi32, #tpu.memory_space<hbm>> -> memref<640xi32, #tpu.memory_space<hbm>>
      tpu.enqueue_dma source(%dma_start3A_82 : memref<640xi32, #tpu.memory_space<hbm>>) target(%arg5 : memref<640xi32, #tpu.memory_space<vmem>>) target_semaphore(%run_scoped3A : memref<!tpu.dma_semaphore, #tpu.memory_space<semaphore_mem>>)
      %dma_wait3A_83 = tpu.memref_slice %arg3[%add3A_4] : memref<204800xi32, #tpu.memory_space<hbm>> -> memref<640xi32, #tpu.memory_space<hbm>>
      %dma_wait3A_84 = tpu.memref_slice %arg3[%add3A_4] : memref<204800xi32, #tpu.memory_space<hbm>> -> memref<640xi32, #tpu.memory_space<hbm>>
      tpu.wait_dma2 semaphore(%run_scoped3A : memref<!tpu.dma_semaphore, #tpu.memory_space<semaphore_mem>>) src(%dma_wait3A_84 : memref<640xi32, #tpu.memory_space<hbm>>) dst(%arg5 : memref<640xi32, #tpu.memory_space<vmem>>)
      tpu.yield
    }) : () -> ()
    %dma_start3A = arith.constant 0 : i32
    %dma_start3A_5 = arith.constant 0 : i32
    %dma_start3A_6 = tpu.memref_slice %arg2[%dma_start3A, %dma_start3A_5] : memref<10240x128xf32, #tpu.memory_space<hbm>> -> memref<10240x128xf32, #tpu.memory_space<hbm>>
    tpu.enqueue_indirect_dma source(%dma_start3A_6 : memref<10240x128xf32, #tpu.memory_space<hbm>>) target(%arg6 : memref<640x128xf32, #tpu.memory_space<vmem>>) offsets(%arg5 : memref<640xi32, #tpu.memory_space<vmem>>) semaphore(%arg7 : memref<!tpu.dma_semaphore, #tpu.memory_space<semaphore_mem>>)
    %dma_wait3A = arith.constant 0 : i32
    %dma_wait3A_7 = arith.constant 0 : i32
    %dma_wait3A_8 = tpu.memref_slice %arg2[%dma_wait3A, %dma_wait3A_7] : memref<10240x128xf32, #tpu.memory_space<hbm>> -> memref<10240x128xf32, #tpu.memory_space<hbm>>
    tpu.wait_indirect_dma semaphore(%arg7 : memref<!tpu.dma_semaphore, #tpu.memory_space<semaphore_mem>>) src(%dma_wait3A_8 : memref<10240x128xf32, #tpu.memory_space<hbm>>) dst(%arg6 : memref<640x128xf32, #tpu.memory_space<vmem>>)
    "tpu.region"() ({
      %run_scoped3A = tpu.sem_alloc : memref<!tpu.dma_semaphore, #tpu.memory_space<semaphore_mem>>
      %dma_start3A_81 = arith.constant 0 : i32
      %dma_start3A_82 = tpu.memref_slice %arg4[%add3A_4, %dma_start3A_81] : memref<204800x128xf32, #tpu.memory_space<hbm>> -> memref<640x128xf32, #tpu.memory_space<hbm>>
      %dma_start3A_83 = arith.constant 0 : i32
      %dma_start3A_84 = tpu.memref_slice %arg4[%add3A_4, %dma_start3A_83] : memref<204800x128xf32, #tpu.memory_space<hbm>> -> memref<640x128xf32, #tpu.memory_space<hbm>>
      tpu.enqueue_dma source(%arg6 : memref<640x128xf32, #tpu.memory_space<vmem>>) target(%dma_start3A_84 : memref<640x128xf32, #tpu.memory_space<hbm>>) target_semaphore(%run_scoped3A : memref<!tpu.dma_semaphore, #tpu.memory_space<semaphore_mem>>)
      %dma_wait3A_85 = arith.constant 0 : i32
      %dma_wait3A_86 = tpu.memref_slice %arg4[%add3A_4, %dma_wait3A_85] : memref<204800x128xf32, #tpu.memory_space<hbm>> -> memref<640x128xf32, #tpu.memory_space<hbm>>
      %dma_wait3A_87 = arith.constant 0 : i32
      %dma_wait3A_88 = tpu.memref_slice %arg4[%add3A_4, %dma_wait3A_87] : memref<204800x128xf32, #tpu.memory_space<hbm>> -> memref<640x128xf32, #tpu.memory_space<hbm>>
      tpu.wait_dma2 semaphore(%run_scoped3A : memref<!tpu.dma_semaphore, #tpu.memory_space<semaphore_mem>>) src(%arg6 : memref<640x128xf32, #tpu.memory_space<vmem>>) dst(%dma_wait3A_88 : memref<640x128xf32, #tpu.memory_space<hbm>>)
      tpu.yield
    }) : () -> ()
    %add3A_9 = arith.constant 640 : i32
    %add3A_10 = arith.addi %mul3A_2, %add3A_9 : i32
    "tpu.region"() ({
      %run_scoped3A = tpu.sem_alloc : memref<!tpu.dma_semaphore, #tpu.memory_space<semaphore_mem>>
      %dma_start3A_81 = tpu.memref_slice %arg3[%add3A_10] : memref<204800xi32, #tpu.memory_space<hbm>> -> memref<640xi32, #tpu.memory_space<hbm>>
      %dma_start3A_82 = tpu.memref_slice %arg3[%add3A_10] : memref<204800xi32, #tpu.memory_space<hbm>> -> memref<640xi32, #tpu.memory_space<hbm>>
      tpu.enqueue_dma source(%dma_start3A_82 : memref<640xi32, #tpu.memory_space<hbm>>) target(%arg5 : memref<640xi32, #tpu.memory_space<vmem>>) target_semaphore(%run_scoped3A : memref<!tpu.dma_semaphore, #tpu.memory_space<semaphore_mem>>)
      %dma_wait3A_83 = tpu.memref_slice %arg3[%add3A_10] : memref<204800xi32, #tpu.memory_space<hbm>> -> memref<640xi32, #tpu.memory_space<hbm>>
      %dma_wait3A_84 = tpu.memref_slice %arg3[%add3A_10] : memref<204800xi32, #tpu.memory_space<hbm>> -> memref<640xi32, #tpu.memory_space<hbm>>
      tpu.wait_dma2 semaphore(%run_scoped3A : memref<!tpu.dma_semaphore, #tpu.memory_space<semaphore_mem>>) src(%dma_wait3A_84 : memref<640xi32, #tpu.memory_space<hbm>>) dst(%arg5 : memref<640xi32, #tpu.memory_space<vmem>>)
      tpu.yield
    }) : () -> ()
    %dma_start3A_11 = arith.constant 0 : i32
    %dma_start3A_12 = arith.constant 0 : i32
    %dma_start3A_13 = tpu.memref_slice %arg2[%dma_start3A_11, %dma_start3A_12] : memref<10240x128xf32, #tpu.memory_space<hbm>> -> memref<10240x128xf32, #tpu.memory_space<hbm>>
    tpu.enqueue_indirect_dma source(%dma_start3A_13 : memref<10240x128xf32, #tpu.memory_space<hbm>>) target(%arg6 : memref<640x128xf32, #tpu.memory_space<vmem>>) offsets(%arg5 : memref<640xi32, #tpu.memory_space<vmem>>) semaphore(%arg7 : memref<!tpu.dma_semaphore, #tpu.memory_space<semaphore_mem>>)
    %dma_wait3A_14 = arith.constant 0 : i32
    %dma_wait3A_15 = arith.constant 0 : i32
    %dma_wait3A_16 = tpu.memref_slice %arg2[%dma_wait3A_14, %dma_wait3A_15] : memref<10240x128xf32, #tpu.memory_space<hbm>> -> memref<10240x128xf32, #tpu.memory_space<hbm>>
    tpu.wait_indirect_dma semaphore(%arg7 : memref<!tpu.dma_semaphore, #tpu.memory_space<semaphore_mem>>) src(%dma_wait3A_16 : memref<10240x128xf32, #tpu.memory_space<hbm>>) dst(%arg6 : memref<640x128xf32, #tpu.memory_space<vmem>>)
    "tpu.region"() ({
      %run_scoped3A = tpu.sem_alloc : memref<!tpu.dma_semaphore, #tpu.memory_space<semaphore_mem>>
      %dma_start3A_81 = arith.constant 0 : i32
      %dma_start3A_82 = tpu.memref_slice %arg4[%add3A_10, %dma_start3A_81] : memref<204800x128xf32, #tpu.memory_space<hbm>> -> memref<640x128xf32, #tpu.memory_space<hbm>>
      %dma_start3A_83 = arith.constant 0 : i32
      %dma_start3A_84 = tpu.memref_slice %arg4[%add3A_10, %dma_start3A_83] : memref<204800x128xf32, #tpu.memory_space<hbm>> -> memref<640x128xf32, #tpu.memory_space<hbm>>
      tpu.enqueue_dma source(%arg6 : memref<640x128xf32, #tpu.memory_space<vmem>>) target(%dma_start3A_84 : memref<640x128xf32, #tpu.memory_space<hbm>>) target_semaphore(%run_scoped3A : memref<!tpu.dma_semaphore, #tpu.memory_space<semaphore_mem>>)
      %dma_wait3A_85 = arith.constant 0 : i32
      %dma_wait3A_86 = tpu.memref_slice %arg4[%add3A_10, %dma_wait3A_85] : memref<204800x128xf32, #tpu.memory_space<hbm>> -> memref<640x128xf32, #tpu.memory_space<hbm>>
      %dma_wait3A_87 = arith.constant 0 : i32
      %dma_wait3A_88 = tpu.memref_slice %arg4[%add3A_10, %dma_wait3A_87] : memref<204800x128xf32, #tpu.memory_space<hbm>> -> memref<640x128xf32, #tpu.memory_space<hbm>>
      tpu.wait_dma2 semaphore(%run_scoped3A : memref<!tpu.dma_semaphore, #tpu.memory_space<semaphore_mem>>) src(%arg6 : memref<640x128xf32, #tpu.memory_space<vmem>>) dst(%dma_wait3A_88 : memref<640x128xf32, #tpu.memory_space<hbm>>)
      tpu.yield
    }) : () -> ()
    %add3A_17 = arith.constant 1280 : i32
    %add3A_18 = arith.addi %mul3A_2, %add3A_17 : i32
    "tpu.region"() ({
      %run_scoped3A = tpu.sem_alloc : memref<!tpu.dma_semaphore, #tpu.memory_space<semaphore_mem>>
      %dma_start3A_81 = tpu.memref_slice %arg3[%add3A_18] : memref<204800xi32, #tpu.memory_space<hbm>> -> memref<640xi32, #tpu.memory_space<hbm>>
      %dma_start3A_82 = tpu.memref_slice %arg3[%add3A_18] : memref<204800xi32, #tpu.memory_space<hbm>> -> memref<640xi32, #tpu.memory_space<hbm>>
      tpu.enqueue_dma source(%dma_start3A_82 : memref<640xi32, #tpu.memory_space<hbm>>) target(%arg5 : memref<640xi32, #tpu.memory_space<vmem>>) target_semaphore(%run_scoped3A : memref<!tpu.dma_semaphore, #tpu.memory_space<semaphore_mem>>)
      %dma_wait3A_83 = tpu.memref_slice %arg3[%add3A_18] : memref<204800xi32, #tpu.memory_space<hbm>> -> memref<640xi32, #tpu.memory_space<hbm>>
      %dma_wait3A_84 = tpu.memref_slice %arg3[%add3A_18] : memref<204800xi32, #tpu.memory_space<hbm>> -> memref<640xi32, #tpu.memory_space<hbm>>
      tpu.wait_dma2 semaphore(%run_scoped3A : memref<!tpu.dma_semaphore, #tpu.memory_space<semaphore_mem>>) src(%dma_wait3A_84 : memref<640xi32, #tpu.memory_space<hbm>>) dst(%arg5 : memref<640xi32, #tpu.memory_space<vmem>>)
      tpu.yield
    }) : () -> ()
    %dma_start3A_19 = arith.constant 0 : i32
    %dma_start3A_20 = arith.constant 0 : i32
    %dma_start3A_21 = tpu.memref_slice %arg2[%dma_start3A_19, %dma_start3A_20] : memref<10240x128xf32, #tpu.memory_space<hbm>> -> memref<10240x128xf32, #tpu.memory_space<hbm>>
    tpu.enqueue_indirect_dma source(%dma_start3A_21 : memref<10240x128xf32, #tpu.memory_space<hbm>>) target(%arg6 : memref<640x128xf32, #tpu.memory_space<vmem>>) offsets(%arg5 : memref<640xi32, #tpu.memory_space<vmem>>) semaphore(%arg7 : memref<!tpu.dma_semaphore, #tpu.memory_space<semaphore_mem>>)
    %dma_wait3A_22 = arith.constant 0 : i32
    %dma_wait3A_23 = arith.constant 0 : i32
    %dma_wait3A_24 = tpu.memref_slice %arg2[%dma_wait3A_22, %dma_wait3A_23] : memref<10240x128xf32, #tpu.memory_space<hbm>> -> memref<10240x128xf32, #tpu.memory_space<hbm>>
    tpu.wait_indirect_dma semaphore(%arg7 : memref<!tpu.dma_semaphore, #tpu.memory_space<semaphore_mem>>) src(%dma_wait3A_24 : memref<10240x128xf32, #tpu.memory_space<hbm>>) dst(%arg6 : memref<640x128xf32, #tpu.memory_space<vmem>>)
    "tpu.region"() ({
      %run_scoped3A = tpu.sem_alloc : memref<!tpu.dma_semaphore, #tpu.memory_space<semaphore_mem>>
      %dma_start3A_81 = arith.constant 0 : i32
      %dma_start3A_82 = tpu.memref_slice %arg4[%add3A_18, %dma_start3A_81] : memref<204800x128xf32, #tpu.memory_space<hbm>> -> memref<640x128xf32, #tpu.memory_space<hbm>>
      %dma_start3A_83 = arith.constant 0 : i32
      %dma_start3A_84 = tpu.memref_slice %arg4[%add3A_18, %dma_start3A_83] : memref<204800x128xf32, #tpu.memory_space<hbm>> -> memref<640x128xf32, #tpu.memory_space<hbm>>
      tpu.enqueue_dma source(%arg6 : memref<640x128xf32, #tpu.memory_space<vmem>>) target(%dma_start3A_84 : memref<640x128xf32, #tpu.memory_space<hbm>>) target_semaphore(%run_scoped3A : memref<!tpu.dma_semaphore, #tpu.memory_space<semaphore_mem>>)
      %dma_wait3A_85 = arith.constant 0 : i32
      %dma_wait3A_86 = tpu.memref_slice %arg4[%add3A_18, %dma_wait3A_85] : memref<204800x128xf32, #tpu.memory_space<hbm>> -> memref<640x128xf32, #tpu.memory_space<hbm>>
      %dma_wait3A_87 = arith.constant 0 : i32
      %dma_wait3A_88 = tpu.memref_slice %arg4[%add3A_18, %dma_wait3A_87] : memref<204800x128xf32, #tpu.memory_space<hbm>> -> memref<640x128xf32, #tpu.memory_space<hbm>>
      tpu.wait_dma2 semaphore(%run_scoped3A : memref<!tpu.dma_semaphore, #tpu.memory_space<semaphore_mem>>) src(%arg6 : memref<640x128xf32, #tpu.memory_space<vmem>>) dst(%dma_wait3A_88 : memref<640x128xf32, #tpu.memory_space<hbm>>)
      tpu.yield
    }) : () -> ()
    %add3A_25 = arith.constant 1920 : i32
    %add3A_26 = arith.addi %mul3A_2, %add3A_25 : i32
    "tpu.region"() ({
      %run_scoped3A = tpu.sem_alloc : memref<!tpu.dma_semaphore, #tpu.memory_space<semaphore_mem>>
      %dma_start3A_81 = tpu.memref_slice %arg3[%add3A_26] : memref<204800xi32, #tpu.memory_space<hbm>> -> memref<640xi32, #tpu.memory_space<hbm>>
      %dma_start3A_82 = tpu.memref_slice %arg3[%add3A_26] : memref<204800xi32, #tpu.memory_space<hbm>> -> memref<640xi32, #tpu.memory_space<hbm>>
      tpu.enqueue_dma source(%dma_start3A_82 : memref<640xi32, #tpu.memory_space<hbm>>) target(%arg5 : memref<640xi32, #tpu.memory_space<vmem>>) target_semaphore(%run_scoped3A : memref<!tpu.dma_semaphore, #tpu.memory_space<semaphore_mem>>)
      %dma_wait3A_83 = tpu.memref_slice %arg3[%add3A_26] : memref<204800xi32, #tpu.memory_space<hbm>> -> memref<640xi32, #tpu.memory_space<hbm>>
      %dma_wait3A_84 = tpu.memref_slice %arg3[%add3A_26] : memref<204800xi32, #tpu.memory_space<hbm>> -> memref<640xi32, #tpu.memory_space<hbm>>
      tpu.wait_dma2 semaphore(%run_scoped3A : memref<!tpu.dma_semaphore, #tpu.memory_space<semaphore_mem>>) src(%dma_wait3A_84 : memref<640xi32, #tpu.memory_space<hbm>>) dst(%arg5 : memref<640xi32, #tpu.memory_space<vmem>>)
      tpu.yield
    }) : () -> ()
    %dma_start3A_27 = arith.constant 0 : i32
    %dma_start3A_28 = arith.constant 0 : i32
    %dma_start3A_29 = tpu.memref_slice %arg2[%dma_start3A_27, %dma_start3A_28] : memref<10240x128xf32, #tpu.memory_space<hbm>> -> memref<10240x128xf32, #tpu.memory_space<hbm>>
    tpu.enqueue_indirect_dma source(%dma_start3A_29 : memref<10240x128xf32, #tpu.memory_space<hbm>>) target(%arg6 : memref<640x128xf32, #tpu.memory_space<vmem>>) offsets(%arg5 : memref<640xi32, #tpu.memory_space<vmem>>) semaphore(%arg7 : memref<!tpu.dma_semaphore, #tpu.memory_space<semaphore_mem>>)
    %dma_wait3A_30 = arith.constant 0 : i32
    %dma_wait3A_31 = arith.constant 0 : i32
    %dma_wait3A_32 = tpu.memref_slice %arg2[%dma_wait3A_30, %dma_wait3A_31] : memref<10240x128xf32, #tpu.memory_space<hbm>> -> memref<10240x128xf32, #tpu.memory_space<hbm>>
    tpu.wait_indirect_dma semaphore(%arg7 : memref<!tpu.dma_semaphore, #tpu.memory_space<semaphore_mem>>) src(%dma_wait3A_32 : memref<10240x128xf32, #tpu.memory_space<hbm>>) dst(%arg6 : memref<640x128xf32, #tpu.memory_space<vmem>>)
    "tpu.region"() ({
      %run_scoped3A = tpu.sem_alloc : memref<!tpu.dma_semaphore, #tpu.memory_space<semaphore_mem>>
      %dma_start3A_81 = arith.constant 0 : i32
      %dma_start3A_82 = tpu.memref_slice %arg4[%add3A_26, %dma_start3A_81] : memref<204800x128xf32, #tpu.memory_space<hbm>> -> memref<640x128xf32, #tpu.memory_space<hbm>>
      %dma_start3A_83 = arith.constant 0 : i32
      %dma_start3A_84 = tpu.memref_slice %arg4[%add3A_26, %dma_start3A_83] : memref<204800x128xf32, #tpu.memory_space<hbm>> -> memref<640x128xf32, #tpu.memory_space<hbm>>
      tpu.enqueue_dma source(%arg6 : memref<640x128xf32, #tpu.memory_space<vmem>>) target(%dma_start3A_84 : memref<640x128xf32, #tpu.memory_space<hbm>>) target_semaphore(%run_scoped3A : memref<!tpu.dma_semaphore, #tpu.memory_space<semaphore_mem>>)
      %dma_wait3A_85 = arith.constant 0 : i32
      %dma_wait3A_86 = tpu.memref_slice %arg4[%add3A_26, %dma_wait3A_85] : memref<204800x128xf32, #tpu.memory_space<hbm>> -> memref<640x128xf32, #tpu.memory_space<hbm>>
      %dma_wait3A_87 = arith.constant 0 : i32
      %dma_wait3A_88 = tpu.memref_slice %arg4[%add3A_26, %dma_wait3A_87] : memref<204800x128xf32, #tpu.memory_space<hbm>> -> memref<640x128xf32, #tpu.memory_space<hbm>>
      tpu.wait_dma2 semaphore(%run_scoped3A : memref<!tpu.dma_semaphore, #tpu.memory_space<semaphore_mem>>) src(%arg6 : memref<640x128xf32, #tpu.memory_space<vmem>>) dst(%dma_wait3A_88 : memref<640x128xf32, #tpu.memory_space<hbm>>)
      tpu.yield
    }) : () -> ()
    %add3A_33 = arith.constant 2560 : i32
    %add3A_34 = arith.addi %mul3A_2, %add3A_33 : i32
    "tpu.region"() ({
      %run_scoped3A = tpu.sem_alloc : memref<!tpu.dma_semaphore, #tpu.memory_space<semaphore_mem>>
      %dma_start3A_81 = tpu.memref_slice %arg3[%add3A_34] : memref<204800xi32, #tpu.memory_space<hbm>> -> memref<640xi32, #tpu.memory_space<hbm>>
      %dma_start3A_82 = tpu.memref_slice %arg3[%add3A_34] : memref<204800xi32, #tpu.memory_space<hbm>> -> memref<640xi32, #tpu.memory_space<hbm>>
      tpu.enqueue_dma source(%dma_start3A_82 : memref<640xi32, #tpu.memory_space<hbm>>) target(%arg5 : memref<640xi32, #tpu.memory_space<vmem>>) target_semaphore(%run_scoped3A : memref<!tpu.dma_semaphore, #tpu.memory_space<semaphore_mem>>)
      %dma_wait3A_83 = tpu.memref_slice %arg3[%add3A_34] : memref<204800xi32, #tpu.memory_space<hbm>> -> memref<640xi32, #tpu.memory_space<hbm>>
      %dma_wait3A_84 = tpu.memref_slice %arg3[%add3A_34] : memref<204800xi32, #tpu.memory_space<hbm>> -> memref<640xi32, #tpu.memory_space<hbm>>
      tpu.wait_dma2 semaphore(%run_scoped3A : memref<!tpu.dma_semaphore, #tpu.memory_space<semaphore_mem>>) src(%dma_wait3A_84 : memref<640xi32, #tpu.memory_space<hbm>>) dst(%arg5 : memref<640xi32, #tpu.memory_space<vmem>>)
      tpu.yield
    }) : () -> ()
    %dma_start3A_35 = arith.constant 0 : i32
    %dma_start3A_36 = arith.constant 0 : i32
    %dma_start3A_37 = tpu.memref_slice %arg2[%dma_start3A_35, %dma_start3A_36] : memref<10240x128xf32, #tpu.memory_space<hbm>> -> memref<10240x128xf32, #tpu.memory_space<hbm>>
    tpu.enqueue_indirect_dma source(%dma_start3A_37 : memref<10240x128xf32, #tpu.memory_space<hbm>>) target(%arg6 : memref<640x128xf32, #tpu.memory_space<vmem>>) offsets(%arg5 : memref<640xi32, #tpu.memory_space<vmem>>) semaphore(%arg7 : memref<!tpu.dma_semaphore, #tpu.memory_space<semaphore_mem>>)
    %dma_wait3A_38 = arith.constant 0 : i32
    %dma_wait3A_39 = arith.constant 0 : i32
    %dma_wait3A_40 = tpu.memref_slice %arg2[%dma_wait3A_38, %dma_wait3A_39] : memref<10240x128xf32, #tpu.memory_space<hbm>> -> memref<10240x128xf32, #tpu.memory_space<hbm>>
    tpu.wait_indirect_dma semaphore(%arg7 : memref<!tpu.dma_semaphore, #tpu.memory_space<semaphore_mem>>) src(%dma_wait3A_40 : memref<10240x128xf32, #tpu.memory_space<hbm>>) dst(%arg6 : memref<640x128xf32, #tpu.memory_space<vmem>>)
    "tpu.region"() ({
      %run_scoped3A = tpu.sem_alloc : memref<!tpu.dma_semaphore, #tpu.memory_space<semaphore_mem>>
      %dma_start3A_81 = arith.constant 0 : i32
      %dma_start3A_82 = tpu.memref_slice %arg4[%add3A_34, %dma_start3A_81] : memref<204800x128xf32, #tpu.memory_space<hbm>> -> memref<640x128xf32, #tpu.memory_space<hbm>>
      %dma_start3A_83 = arith.constant 0 : i32
      %dma_start3A_84 = tpu.memref_slice %arg4[%add3A_34, %dma_start3A_83] : memref<204800x128xf32, #tpu.memory_space<hbm>> -> memref<640x128xf32, #tpu.memory_space<hbm>>
      tpu.enqueue_dma source(%arg6 : memref<640x128xf32, #tpu.memory_space<vmem>>) target(%dma_start3A_84 : memref<640x128xf32, #tpu.memory_space<hbm>>) target_semaphore(%run_scoped3A : memref<!tpu.dma_semaphore, #tpu.memory_space<semaphore_mem>>)
      %dma_wait3A_85 = arith.constant 0 : i32
      %dma_wait3A_86 = tpu.memref_slice %arg4[%add3A_34, %dma_wait3A_85] : memref<204800x128xf32, #tpu.memory_space<hbm>> -> memref<640x128xf32, #tpu.memory_space<hbm>>
      %dma_wait3A_87 = arith.constant 0 : i32
      %dma_wait3A_88 = tpu.memref_slice %arg4[%add3A_34, %dma_wait3A_87] : memref<204800x128xf32, #tpu.memory_space<hbm>> -> memref<640x128xf32, #tpu.memory_space<hbm>>
      tpu.wait_dma2 semaphore(%run_scoped3A : memref<!tpu.dma_semaphore, #tpu.memory_space<semaphore_mem>>) src(%arg6 : memref<640x128xf32, #tpu.memory_space<vmem>>) dst(%dma_wait3A_88 : memref<640x128xf32, #tpu.memory_space<hbm>>)
      tpu.yield
    }) : () -> ()
    %add3A_41 = arith.constant 3200 : i32
    %add3A_42 = arith.addi %mul3A_2, %add3A_41 : i32
    "tpu.region"() ({
      %run_scoped3A = tpu.sem_alloc : memref<!tpu.dma_semaphore, #tpu.memory_space<semaphore_mem>>
      %dma_start3A_81 = tpu.memref_slice %arg3[%add3A_42] : memref<204800xi32, #tpu.memory_space<hbm>> -> memref<640xi32, #tpu.memory_space<hbm>>
      %dma_start3A_82 = tpu.memref_slice %arg3[%add3A_42] : memref<204800xi32, #tpu.memory_space<hbm>> -> memref<640xi32, #tpu.memory_space<hbm>>
      tpu.enqueue_dma source(%dma_start3A_82 : memref<640xi32, #tpu.memory_space<hbm>>) target(%arg5 : memref<640xi32, #tpu.memory_space<vmem>>) target_semaphore(%run_scoped3A : memref<!tpu.dma_semaphore, #tpu.memory_space<semaphore_mem>>)
      %dma_wait3A_83 = tpu.memref_slice %arg3[%add3A_42] : memref<204800xi32, #tpu.memory_space<hbm>> -> memref<640xi32, #tpu.memory_space<hbm>>
      %dma_wait3A_84 = tpu.memref_slice %arg3[%add3A_42] : memref<204800xi32, #tpu.memory_space<hbm>> -> memref<640xi32, #tpu.memory_space<hbm>>
      tpu.wait_dma2 semaphore(%run_scoped3A : memref<!tpu.dma_semaphore, #tpu.memory_space<semaphore_mem>>) src(%dma_wait3A_84 : memref<640xi32, #tpu.memory_space<hbm>>) dst(%arg5 : memref<640xi32, #tpu.memory_space<vmem>>)
      tpu.yield
    }) : () -> ()
    %dma_start3A_43 = arith.constant 0 : i32
    %dma_start3A_44 = arith.constant 0 : i32
    %dma_start3A_45 = tpu.memref_slice %arg2[%dma_start3A_43, %dma_start3A_44] : memref<10240x128xf32, #tpu.memory_space<hbm>> -> memref<10240x128xf32, #tpu.memory_space<hbm>>
    tpu.enqueue_indirect_dma source(%dma_start3A_45 : memref<10240x128xf32, #tpu.memory_space<hbm>>) target(%arg6 : memref<640x128xf32, #tpu.memory_space<vmem>>) offsets(%arg5 : memref<640xi32, #tpu.memory_space<vmem>>) semaphore(%arg7 : memref<!tpu.dma_semaphore, #tpu.memory_space<semaphore_mem>>)
    %dma_wait3A_46 = arith.constant 0 : i32
    %dma_wait3A_47 = arith.constant 0 : i32
    %dma_wait3A_48 = tpu.memref_slice %arg2[%dma_wait3A_46, %dma_wait3A_47] : memref<10240x128xf32, #tpu.memory_space<hbm>> -> memref<10240x128xf32, #tpu.memory_space<hbm>>
    tpu.wait_indirect_dma semaphore(%arg7 : memref<!tpu.dma_semaphore, #tpu.memory_space<semaphore_mem>>) src(%dma_wait3A_48 : memref<10240x128xf32, #tpu.memory_space<hbm>>) dst(%arg6 : memref<640x128xf32, #tpu.memory_space<vmem>>)
    "tpu.region"() ({
      %run_scoped3A = tpu.sem_alloc : memref<!tpu.dma_semaphore, #tpu.memory_space<semaphore_mem>>
      %dma_start3A_81 = arith.constant 0 : i32
      %dma_start3A_82 = tpu.memref_slice %arg4[%add3A_42, %dma_start3A_81] : memref<204800x128xf32, #tpu.memory_space<hbm>> -> memref<640x128xf32, #tpu.memory_space<hbm>>
      %dma_start3A_83 = arith.constant 0 : i32
      %dma_start3A_84 = tpu.memref_slice %arg4[%add3A_42, %dma_start3A_83] : memref<204800x128xf32, #tpu.memory_space<hbm>> -> memref<640x128xf32, #tpu.memory_space<hbm>>
      tpu.enqueue_dma source(%arg6 : memref<640x128xf32, #tpu.memory_space<vmem>>) target(%dma_start3A_84 : memref<640x128xf32, #tpu.memory_space<hbm>>) target_semaphore(%run_scoped3A : memref<!tpu.dma_semaphore, #tpu.memory_space<semaphore_mem>>)
      %dma_wait3A_85 = arith.constant 0 : i32
      %dma_wait3A_86 = tpu.memref_slice %arg4[%add3A_42, %dma_wait3A_85] : memref<204800x128xf32, #tpu.memory_space<hbm>> -> memref<640x128xf32, #tpu.memory_space<hbm>>
      %dma_wait3A_87 = arith.constant 0 : i32
      %dma_wait3A_88 = tpu.memref_slice %arg4[%add3A_42, %dma_wait3A_87] : memref<204800x128xf32, #tpu.memory_space<hbm>> -> memref<640x128xf32, #tpu.memory_space<hbm>>
      tpu.wait_dma2 semaphore(%run_scoped3A : memref<!tpu.dma_semaphore, #tpu.memory_space<semaphore_mem>>) src(%arg6 : memref<640x128xf32, #tpu.memory_space<vmem>>) dst(%dma_wait3A_88 : memref<640x128xf32, #tpu.memory_space<hbm>>)
      tpu.yield
    }) : () -> ()
    %add3A_49 = arith.constant 3840 : i32
    %add3A_50 = arith.addi %mul3A_2, %add3A_49 : i32
    "tpu.region"() ({
      %run_scoped3A = tpu.sem_alloc : memref<!tpu.dma_semaphore, #tpu.memory_space<semaphore_mem>>
      %dma_start3A_81 = tpu.memref_slice %arg3[%add3A_50] : memref<204800xi32, #tpu.memory_space<hbm>> -> memref<640xi32, #tpu.memory_space<hbm>>
      %dma_start3A_82 = tpu.memref_slice %arg3[%add3A_50] : memref<204800xi32, #tpu.memory_space<hbm>> -> memref<640xi32, #tpu.memory_space<hbm>>
      tpu.enqueue_dma source(%dma_start3A_82 : memref<640xi32, #tpu.memory_space<hbm>>) target(%arg5 : memref<640xi32, #tpu.memory_space<vmem>>) target_semaphore(%run_scoped3A : memref<!tpu.dma_semaphore, #tpu.memory_space<semaphore_mem>>)
      %dma_wait3A_83 = tpu.memref_slice %arg3[%add3A_50] : memref<204800xi32, #tpu.memory_space<hbm>> -> memref<640xi32, #tpu.memory_space<hbm>>
      %dma_wait3A_84 = tpu.memref_slice %arg3[%add3A_50] : memref<204800xi32, #tpu.memory_space<hbm>> -> memref<640xi32, #tpu.memory_space<hbm>>
      tpu.wait_dma2 semaphore(%run_scoped3A : memref<!tpu.dma_semaphore, #tpu.memory_space<semaphore_mem>>) src(%dma_wait3A_84 : memref<640xi32, #tpu.memory_space<hbm>>) dst(%arg5 : memref<640xi32, #tpu.memory_space<vmem>>)
      tpu.yield
    }) : () -> ()
    %dma_start3A_51 = arith.constant 0 : i32
    %dma_start3A_52 = arith.constant 0 : i32
    %dma_start3A_53 = tpu.memref_slice %arg2[%dma_start3A_51, %dma_start3A_52] : memref<10240x128xf32, #tpu.memory_space<hbm>> -> memref<10240x128xf32, #tpu.memory_space<hbm>>
    tpu.enqueue_indirect_dma source(%dma_start3A_53 : memref<10240x128xf32, #tpu.memory_space<hbm>>) target(%arg6 : memref<640x128xf32, #tpu.memory_space<vmem>>) offsets(%arg5 : memref<640xi32, #tpu.memory_space<vmem>>) semaphore(%arg7 : memref<!tpu.dma_semaphore, #tpu.memory_space<semaphore_mem>>)
    %dma_wait3A_54 = arith.constant 0 : i32
    %dma_wait3A_55 = arith.constant 0 : i32
    %dma_wait3A_56 = tpu.memref_slice %arg2[%dma_wait3A_54, %dma_wait3A_55] : memref<10240x128xf32, #tpu.memory_space<hbm>> -> memref<10240x128xf32, #tpu.memory_space<hbm>>
    tpu.wait_indirect_dma semaphore(%arg7 : memref<!tpu.dma_semaphore, #tpu.memory_space<semaphore_mem>>) src(%dma_wait3A_56 : memref<10240x128xf32, #tpu.memory_space<hbm>>) dst(%arg6 : memref<640x128xf32, #tpu.memory_space<vmem>>)
    "tpu.region"() ({
      %run_scoped3A = tpu.sem_alloc : memref<!tpu.dma_semaphore, #tpu.memory_space<semaphore_mem>>
      %dma_start3A_81 = arith.constant 0 : i32
      %dma_start3A_82 = tpu.memref_slice %arg4[%add3A_50, %dma_start3A_81] : memref<204800x128xf32, #tpu.memory_space<hbm>> -> memref<640x128xf32, #tpu.memory_space<hbm>>
      %dma_start3A_83 = arith.constant 0 : i32
      %dma_start3A_84 = tpu.memref_slice %arg4[%add3A_50, %dma_start3A_83] : memref<204800x128xf32, #tpu.memory_space<hbm>> -> memref<640x128xf32, #tpu.memory_space<hbm>>
      tpu.enqueue_dma source(%arg6 : memref<640x128xf32, #tpu.memory_space<vmem>>) target(%dma_start3A_84 : memref<640x128xf32, #tpu.memory_space<hbm>>) target_semaphore(%run_scoped3A : memref<!tpu.dma_semaphore, #tpu.memory_space<semaphore_mem>>)
      %dma_wait3A_85 = arith.constant 0 : i32
      %dma_wait3A_86 = tpu.memref_slice %arg4[%add3A_50, %dma_wait3A_85] : memref<204800x128xf32, #tpu.memory_space<hbm>> -> memref<640x128xf32, #tpu.memory_space<hbm>>
      %dma_wait3A_87 = arith.constant 0 : i32
      %dma_wait3A_88 = tpu.memref_slice %arg4[%add3A_50, %dma_wait3A_87] : memref<204800x128xf32, #tpu.memory_space<hbm>> -> memref<640x128xf32, #tpu.memory_space<hbm>>
      tpu.wait_dma2 semaphore(%run_scoped3A : memref<!tpu.dma_semaphore, #tpu.memory_space<semaphore_mem>>) src(%arg6 : memref<640x128xf32, #tpu.memory_space<vmem>>) dst(%dma_wait3A_88 : memref<640x128xf32, #tpu.memory_space<hbm>>)
      tpu.yield
    }) : () -> ()
    %add3A_57 = arith.constant 4480 : i32
    %add3A_58 = arith.addi %mul3A_2, %add3A_57 : i32
    "tpu.region"() ({
      %run_scoped3A = tpu.sem_alloc : memref<!tpu.dma_semaphore, #tpu.memory_space<semaphore_mem>>
      %dma_start3A_81 = tpu.memref_slice %arg3[%add3A_58] : memref<204800xi32, #tpu.memory_space<hbm>> -> memref<640xi32, #tpu.memory_space<hbm>>
      %dma_start3A_82 = tpu.memref_slice %arg3[%add3A_58] : memref<204800xi32, #tpu.memory_space<hbm>> -> memref<640xi32, #tpu.memory_space<hbm>>
      tpu.enqueue_dma source(%dma_start3A_82 : memref<640xi32, #tpu.memory_space<hbm>>) target(%arg5 : memref<640xi32, #tpu.memory_space<vmem>>) target_semaphore(%run_scoped3A : memref<!tpu.dma_semaphore, #tpu.memory_space<semaphore_mem>>)
      %dma_wait3A_83 = tpu.memref_slice %arg3[%add3A_58] : memref<204800xi32, #tpu.memory_space<hbm>> -> memref<640xi32, #tpu.memory_space<hbm>>
      %dma_wait3A_84 = tpu.memref_slice %arg3[%add3A_58] : memref<204800xi32, #tpu.memory_space<hbm>> -> memref<640xi32, #tpu.memory_space<hbm>>
      tpu.wait_dma2 semaphore(%run_scoped3A : memref<!tpu.dma_semaphore, #tpu.memory_space<semaphore_mem>>) src(%dma_wait3A_84 : memref<640xi32, #tpu.memory_space<hbm>>) dst(%arg5 : memref<640xi32, #tpu.memory_space<vmem>>)
      tpu.yield
    }) : () -> ()
    %dma_start3A_59 = arith.constant 0 : i32
    %dma_start3A_60 = arith.constant 0 : i32
    %dma_start3A_61 = tpu.memref_slice %arg2[%dma_start3A_59, %dma_start3A_60] : memref<10240x128xf32, #tpu.memory_space<hbm>> -> memref<10240x128xf32, #tpu.memory_space<hbm>>
    tpu.enqueue_indirect_dma source(%dma_start3A_61 : memref<10240x128xf32, #tpu.memory_space<hbm>>) target(%arg6 : memref<640x128xf32, #tpu.memory_space<vmem>>) offsets(%arg5 : memref<640xi32, #tpu.memory_space<vmem>>) semaphore(%arg7 : memref<!tpu.dma_semaphore, #tpu.memory_space<semaphore_mem>>)
    %dma_wait3A_62 = arith.constant 0 : i32
    %dma_wait3A_63 = arith.constant 0 : i32
    %dma_wait3A_64 = tpu.memref_slice %arg2[%dma_wait3A_62, %dma_wait3A_63] : memref<10240x128xf32, #tpu.memory_space<hbm>> -> memref<10240x128xf32, #tpu.memory_space<hbm>>
    tpu.wait_indirect_dma semaphore(%arg7 : memref<!tpu.dma_semaphore, #tpu.memory_space<semaphore_mem>>) src(%dma_wait3A_64 : memref<10240x128xf32, #tpu.memory_space<hbm>>) dst(%arg6 : memref<640x128xf32, #tpu.memory_space<vmem>>)
    "tpu.region"() ({
      %run_scoped3A = tpu.sem_alloc : memref<!tpu.dma_semaphore, #tpu.memory_space<semaphore_mem>>
      %dma_start3A_81 = arith.constant 0 : i32
      %dma_start3A_82 = tpu.memref_slice %arg4[%add3A_58, %dma_start3A_81] : memref<204800x128xf32, #tpu.memory_space<hbm>> -> memref<640x128xf32, #tpu.memory_space<hbm>>
      %dma_start3A_83 = arith.constant 0 : i32
      %dma_start3A_84 = tpu.memref_slice %arg4[%add3A_58, %dma_start3A_83] : memref<204800x128xf32, #tpu.memory_space<hbm>> -> memref<640x128xf32, #tpu.memory_space<hbm>>
      tpu.enqueue_dma source(%arg6 : memref<640x128xf32, #tpu.memory_space<vmem>>) target(%dma_start3A_84 : memref<640x128xf32, #tpu.memory_space<hbm>>) target_semaphore(%run_scoped3A : memref<!tpu.dma_semaphore, #tpu.memory_space<semaphore_mem>>)
      %dma_wait3A_85 = arith.constant 0 : i32
      %dma_wait3A_86 = tpu.memref_slice %arg4[%add3A_58, %dma_wait3A_85] : memref<204800x128xf32, #tpu.memory_space<hbm>> -> memref<640x128xf32, #tpu.memory_space<hbm>>
      %dma_wait3A_87 = arith.constant 0 : i32
      %dma_wait3A_88 = tpu.memref_slice %arg4[%add3A_58, %dma_wait3A_87] : memref<204800x128xf32, #tpu.memory_space<hbm>> -> memref<640x128xf32, #tpu.memory_space<hbm>>
      tpu.wait_dma2 semaphore(%run_scoped3A : memref<!tpu.dma_semaphore, #tpu.memory_space<semaphore_mem>>) src(%arg6 : memref<640x128xf32, #tpu.memory_space<vmem>>) dst(%dma_wait3A_88 : memref<640x128xf32, #tpu.memory_space<hbm>>)
      tpu.yield
    }) : () -> ()
    %add3A_65 = arith.constant 5120 : i32
    %add3A_66 = arith.addi %mul3A_2, %add3A_65 : i32
    "tpu.region"() ({
      %run_scoped3A = tpu.sem_alloc : memref<!tpu.dma_semaphore, #tpu.memory_space<semaphore_mem>>
      %dma_start3A_81 = tpu.memref_slice %arg3[%add3A_66] : memref<204800xi32, #tpu.memory_space<hbm>> -> memref<640xi32, #tpu.memory_space<hbm>>
      %dma_start3A_82 = tpu.memref_slice %arg3[%add3A_66] : memref<204800xi32, #tpu.memory_space<hbm>> -> memref<640xi32, #tpu.memory_space<hbm>>
      tpu.enqueue_dma source(%dma_start3A_82 : memref<640xi32, #tpu.memory_space<hbm>>) target(%arg5 : memref<640xi32, #tpu.memory_space<vmem>>) target_semaphore(%run_scoped3A : memref<!tpu.dma_semaphore, #tpu.memory_space<semaphore_mem>>)
      %dma_wait3A_83 = tpu.memref_slice %arg3[%add3A_66] : memref<204800xi32, #tpu.memory_space<hbm>> -> memref<640xi32, #tpu.memory_space<hbm>>
      %dma_wait3A_84 = tpu.memref_slice %arg3[%add3A_66] : memref<204800xi32, #tpu.memory_space<hbm>> -> memref<640xi32, #tpu.memory_space<hbm>>
      tpu.wait_dma2 semaphore(%run_scoped3A : memref<!tpu.dma_semaphore, #tpu.memory_space<semaphore_mem>>) src(%dma_wait3A_84 : memref<640xi32, #tpu.memory_space<hbm>>) dst(%arg5 : memref<640xi32, #tpu.memory_space<vmem>>)
      tpu.yield
    }) : () -> ()
    %dma_start3A_67 = arith.constant 0 : i32
    %dma_start3A_68 = arith.constant 0 : i32
    %dma_start3A_69 = tpu.memref_slice %arg2[%dma_start3A_67, %dma_start3A_68] : memref<10240x128xf32, #tpu.memory_space<hbm>> -> memref<10240x128xf32, #tpu.memory_space<hbm>>
    tpu.enqueue_indirect_dma source(%dma_start3A_69 : memref<10240x128xf32, #tpu.memory_space<hbm>>) target(%arg6 : memref<640x128xf32, #tpu.memory_space<vmem>>) offsets(%arg5 : memref<640xi32, #tpu.memory_space<vmem>>) semaphore(%arg7 : memref<!tpu.dma_semaphore, #tpu.memory_space<semaphore_mem>>)
    %dma_wait3A_70 = arith.constant 0 : i32
    %dma_wait3A_71 = arith.constant 0 : i32
    %dma_wait3A_72 = tpu.memref_slice %arg2[%dma_wait3A_70, %dma_wait3A_71] : memref<10240x128xf32, #tpu.memory_space<hbm>> -> memref<10240x128xf32, #tpu.memory_space<hbm>>
    tpu.wait_indirect_dma semaphore(%arg7 : memref<!tpu.dma_semaphore, #tpu.memory_space<semaphore_mem>>) src(%dma_wait3A_72 : memref<10240x128xf32, #tpu.memory_space<hbm>>) dst(%arg6 : memref<640x128xf32, #tpu.memory_space<vmem>>)
    "tpu.region"() ({
      %run_scoped3A = tpu.sem_alloc : memref<!tpu.dma_semaphore, #tpu.memory_space<semaphore_mem>>
      %dma_start3A_81 = arith.constant 0 : i32
      %dma_start3A_82 = tpu.memref_slice %arg4[%add3A_66, %dma_start3A_81] : memref<204800x128xf32, #tpu.memory_space<hbm>> -> memref<640x128xf32, #tpu.memory_space<hbm>>
      %dma_start3A_83 = arith.constant 0 : i32
      %dma_start3A_84 = tpu.memref_slice %arg4[%add3A_66, %dma_start3A_83] : memref<204800x128xf32, #tpu.memory_space<hbm>> -> memref<640x128xf32, #tpu.memory_space<hbm>>
      tpu.enqueue_dma source(%arg6 : memref<640x128xf32, #tpu.memory_space<vmem>>) target(%dma_start3A_84 : memref<640x128xf32, #tpu.memory_space<hbm>>) target_semaphore(%run_scoped3A : memref<!tpu.dma_semaphore, #tpu.memory_space<semaphore_mem>>)
      %dma_wait3A_85 = arith.constant 0 : i32
      %dma_wait3A_86 = tpu.memref_slice %arg4[%add3A_66, %dma_wait3A_85] : memref<204800x128xf32, #tpu.memory_space<hbm>> -> memref<640x128xf32, #tpu.memory_space<hbm>>
      %dma_wait3A_87 = arith.constant 0 : i32
      %dma_wait3A_88 = tpu.memref_slice %arg4[%add3A_66, %dma_wait3A_87] : memref<204800x128xf32, #tpu.memory_space<hbm>> -> memref<640x128xf32, #tpu.memory_space<hbm>>
      tpu.wait_dma2 semaphore(%run_scoped3A : memref<!tpu.dma_semaphore, #tpu.memory_space<semaphore_mem>>) src(%arg6 : memref<640x128xf32, #tpu.memory_space<vmem>>) dst(%dma_wait3A_88 : memref<640x128xf32, #tpu.memory_space<hbm>>)
      tpu.yield
    }) : () -> ()
    %add3A_73 = arith.constant 5760 : i32
    %add3A_74 = arith.addi %mul3A_2, %add3A_73 : i32
    "tpu.region"() ({
      %run_scoped3A = tpu.sem_alloc : memref<!tpu.dma_semaphore, #tpu.memory_space<semaphore_mem>>
      %dma_start3A_81 = tpu.memref_slice %arg3[%add3A_74] : memref<204800xi32, #tpu.memory_space<hbm>> -> memref<640xi32, #tpu.memory_space<hbm>>
      %dma_start3A_82 = tpu.memref_slice %arg3[%add3A_74] : memref<204800xi32, #tpu.memory_space<hbm>> -> memref<640xi32, #tpu.memory_space<hbm>>
      tpu.enqueue_dma source(%dma_start3A_82 : memref<640xi32, #tpu.memory_space<hbm>>) target(%arg5 : memref<640xi32, #tpu.memory_space<vmem>>) target_semaphore(%run_scoped3A : memref<!tpu.dma_semaphore, #tpu.memory_space<semaphore_mem>>)
      %dma_wait3A_83 = tpu.memref_slice %arg3[%add3A_74] : memref<204800xi32, #tpu.memory_space<hbm>> -> memref<640xi32, #tpu.memory_space<hbm>>
      %dma_wait3A_84 = tpu.memref_slice %arg3[%add3A_74] : memref<204800xi32, #tpu.memory_space<hbm>> -> memref<640xi32, #tpu.memory_space<hbm>>
      tpu.wait_dma2 semaphore(%run_scoped3A : memref<!tpu.dma_semaphore, #tpu.memory_space<semaphore_mem>>) src(%dma_wait3A_84 : memref<640xi32, #tpu.memory_space<hbm>>) dst(%arg5 : memref<640xi32, #tpu.memory_space<vmem>>)
      tpu.yield
    }) : () -> ()
    %dma_start3A_75 = arith.constant 0 : i32
    %dma_start3A_76 = arith.constant 0 : i32
    %dma_start3A_77 = tpu.memref_slice %arg2[%dma_start3A_75, %dma_start3A_76] : memref<10240x128xf32, #tpu.memory_space<hbm>> -> memref<10240x128xf32, #tpu.memory_space<hbm>>
    tpu.enqueue_indirect_dma source(%dma_start3A_77 : memref<10240x128xf32, #tpu.memory_space<hbm>>) target(%arg6 : memref<640x128xf32, #tpu.memory_space<vmem>>) offsets(%arg5 : memref<640xi32, #tpu.memory_space<vmem>>) semaphore(%arg7 : memref<!tpu.dma_semaphore, #tpu.memory_space<semaphore_mem>>)
    %dma_wait3A_78 = arith.constant 0 : i32
    %dma_wait3A_79 = arith.constant 0 : i32
    %dma_wait3A_80 = tpu.memref_slice %arg2[%dma_wait3A_78, %dma_wait3A_79] : memref<10240x128xf32, #tpu.memory_space<hbm>> -> memref<10240x128xf32, #tpu.memory_space<hbm>>
    tpu.wait_indirect_dma semaphore(%arg7 : memref<!tpu.dma_semaphore, #tpu.memory_space<semaphore_mem>>) src(%dma_wait3A_80 : memref<10240x128xf32, #tpu.memory_space<hbm>>) dst(%arg6 : memref<640x128xf32, #tpu.memory_space<vmem>>)
    "tpu.region"() ({
      %run_scoped3A = tpu.sem_alloc : memref<!tpu.dma_semaphore, #tpu.memory_space<semaphore_mem>>
      %dma_start3A_81 = arith.constant 0 : i32
      %dma_start3A_82 = tpu.memref_slice %arg4[%add3A_74, %dma_start3A_81] : memref<204800x128xf32, #tpu.memory_space<hbm>> -> memref<640x128xf32, #tpu.memory_space<hbm>>
      %dma_start3A_83 = arith.constant 0 : i32
      %dma_start3A_84 = tpu.memref_slice %arg4[%add3A_74, %dma_start3A_83] : memref<204800x128xf32, #tpu.memory_space<hbm>> -> memref<640x128xf32, #tpu.memory_space<hbm>>
      tpu.enqueue_dma source(%arg6 : memref<640x128xf32, #tpu.memory_space<vmem>>) target(%dma_start3A_84 : memref<640x128xf32, #tpu.memory_space<hbm>>) target_semaphore(%run_scoped3A : memref<!tpu.dma_semaphore, #tpu.memory_space<semaphore_mem>>)
      %dma_wait3A_85 = arith.constant 0 : i32
      %dma_wait3A_86 = tpu.memref_slice %arg4[%add3A_74, %dma_wait3A_85] : memref<204800x128xf32, #tpu.memory_space<hbm>> -> memref<640x128xf32, #tpu.memory_space<hbm>>
      %dma_wait3A_87 = arith.constant 0 : i32
      %dma_wait3A_88 = tpu.memref_slice %arg4[%add3A_74, %dma_wait3A_87] : memref<204800x128xf32, #tpu.memory_space<hbm>> -> memref<640x128xf32, #tpu.memory_space<hbm>>
      tpu.wait_dma2 semaphore(%run_scoped3A : memref<!tpu.dma_semaphore, #tpu.memory_space<semaphore_mem>>) src(%arg6 : memref<640x128xf32, #tpu.memory_space<vmem>>) dst(%dma_wait3A_88 : memref<640x128xf32, #tpu.memory_space<hbm>>)
      tpu.yield
    }) : () -> ()
    return
  }
}

module attributes {stable_mosaic.version = 14 : i64} {
  func.func @_knn_pq_body(%arg0: i32, %arg1: memref<2x40xi32, #tpu.memory_space<smem>>, %arg2: memref<256x128xf32, #tpu.memory_space<vmem>>, %arg3: memref<10240x128xf32, #tpu.memory_space<vmem>>, %arg4: memref<256x1xi32, #tpu.memory_space<vmem>>, %arg5: memref<1x10240xi32, #tpu.memory_space<vmem>>, %arg6: memref<256x1xf32, #tpu.memory_space<vmem>>, %arg7: memref<1x10240xf32, #tpu.memory_space<vmem>>, %arg8: memref<128x128xf32, #tpu.memory_space<vmem>>, %arg9: memref<128x128xf32, #tpu.memory_space<vmem>>, %arg10: memref<1x128xf32, #tpu.memory_space<vmem>>, %arg11: memref<256x20xi32, #tpu.memory_space<vmem>>, %arg12: memref<256x128xf32, #tpu.memory_space<vmem>>, %arg13: memref<256x128xf32, #tpu.memory_space<vmem>>, %arg14: memref<256x10240xf32, #tpu.memory_space<vmem>>) attributes {dimension_semantics = [#tpu.dimension_semantics<arbitrary>], iteration_bounds = array<i64: 40>, scalar_prefetch = 1 : i64, scratch_operands = 1 : i64, tpu.core_type = #tpu.core_type<tc>, window_params = [{transform_indices = @transform_0, window_bounds = array<i64: 256, 128>}, {pipeline_mode = #tpu.pipeline_mode<synchronous>, transform_indices = @transform_1, window_bounds = array<i64: 10240, 128>}, {transform_indices = @transform_2, window_bounds = array<i64: 256, 1>}, {pipeline_mode = #tpu.pipeline_mode<synchronous>, transform_indices = @transform_3, window_bounds = array<i64: 1, 10240>}, {transform_indices = @transform_4, window_bounds = array<i64: 256, 1>}, {pipeline_mode = #tpu.pipeline_mode<synchronous>, transform_indices = @transform_5, window_bounds = array<i64: 1, 10240>}, {pipeline_mode = #tpu.pipeline_mode<synchronous>, transform_indices = @transform_6, window_bounds = array<i64: 128, 128>}, {pipeline_mode = #tpu.pipeline_mode<synchronous>, transform_indices = @transform_7, window_bounds = array<i64: 128, 128>}, {pipeline_mode = #tpu.pipeline_mode<synchronous>, transform_indices = @transform_8, window_bounds = array<i64: 1, 128>}, {transform_indices = @transform_9, window_bounds = array<i64: 256, 20>}, {transform_indices = @transform_10, window_bounds = array<i64: 256, 128>}, {transform_indices = @transform_11, window_bounds = array<i64: 256, 128>}]} {
    %get3A = arith.constant 0 : index
    %get3A_0 = arith.constant 0 : index
    %get3A_1 = vector.load %arg2[%get3A, %get3A_0] : memref<256x128xf32, #tpu.memory_space<vmem>>, vector<256x128xf32>
    %get3A_2 = arith.constant 0 : index
    %get3A_3 = arith.constant 0 : index
    %get3A_4 = vector.load %arg8[%get3A_2, %get3A_3] : memref<128x128xf32, #tpu.memory_space<vmem>>, vector<128x128xf32>
    %dot_general3A = arith.constant dense<0.000000e+00> : vector<256x128xf32>
    %dot_general3A_5 = tpu.matmul %get3A_1, %get3A_4, %dot_general3A {dimension_numbers = #tpu.dot_dimension_numbers<[1], [0], [0], [1], [0, 0, 1, 1], [], []>, transpose_lhs_hint = false} : vector<256x128xf32>, vector<128x128xf32>, vector<256x128xf32> -> vector<256x128xf32>
    %get3A_6 = arith.constant 0 : index
    %get3A_7 = arith.constant 0 : index
    %get3A_8 = vector.load %arg10[%get3A_6, %get3A_7] : memref<1x128xf32, #tpu.memory_space<vmem>>, vector<1x128xf32>
    %add3A = vector.broadcast %get3A_8 : vector<1x128xf32> to vector<256x128xf32>
    %add3A_9 = arith.addf %dot_general3A_5, %add3A : vector<256x128xf32>
    %swap3A = arith.constant 0 : index
    %swap3A_10 = arith.constant 0 : index
    %swap3A_11 = vector.load %arg12[%swap3A, %swap3A_10] : memref<256x128xf32, #tpu.memory_space<vmem>>, vector<256x128xf32>
    tpu.vector_store %arg12[%swap3A, %swap3A_10], %add3A_9 {strides = array<i32>} : memref<256x128xf32, #tpu.memory_space<vmem>>, vector<256x128xf32>,
    %get3A_12 = arith.constant 0 : index
    %get3A_13 = arith.constant 0 : index
    %get3A_14 = vector.load %arg9[%get3A_12, %get3A_13] : memref<128x128xf32, #tpu.memory_space<vmem>>, vector<128x128xf32>
    %dot_general3A_15 = arith.constant dense<0.000000e+00> : vector<256x128xf32>
    %dot_general3A_16 = tpu.matmul %get3A_1, %get3A_14, %dot_general3A_15 {dimension_numbers = #tpu.dot_dimension_numbers<[1], [0], [0], [1], [0, 0, 1, 1], [], []>, transpose_lhs_hint = false} : vector<256x128xf32>, vector<128x128xf32>, vector<256x128xf32> -> vector<256x128xf32>
    %swap3A_17 = arith.constant 0 : index
    %swap3A_18 = arith.constant 0 : index
    %swap3A_19 = vector.load %arg13[%swap3A_17, %swap3A_18] : memref<256x128xf32, #tpu.memory_space<vmem>>, vector<256x128xf32>
    tpu.vector_store %arg13[%swap3A_17, %swap3A_18], %dot_general3A_16 {strides = array<i32>} : memref<256x128xf32, #tpu.memory_space<vmem>>, vector<256x128xf32>,
    %get3A_20 = arith.constant 0 : index
    %get3A_21 = arith.constant 0 : index
    %get3A_22 = vector.load %arg6[%get3A_20, %get3A_21] : memref<256x1xf32, #tpu.memory_space<vmem>>, vector<256x1xf32>
    %get3A_23 = arith.constant 0 : index
    %get3A_24 = arith.constant 0 : index
    %get3A_25 = vector.load %arg4[%get3A_23, %get3A_24] : memref<256x1xi32, #tpu.memory_space<vmem>>, vector<256x1xi32>
    %get3A_26 = arith.constant 0 : index
    %get3A_27 = arith.index_cast %arg0 : i32 to index
    %get3A_28 = memref.load %arg1[%get3A_26, %get3A_27] : memref<2x40xi32, #tpu.memory_space<smem>>
    %mul3A = arith.constant 128 : i32
    %mul3A_29 = arith.muli %get3A_28, %mul3A : i32
    %get3A_30 = arith.constant 1 : index
    %get3A_31 = arith.index_cast %arg0 : i32 to index
    %get3A_32 = memref.load %arg1[%get3A_30, %get3A_31] : memref<2x40xi32, #tpu.memory_space<smem>>
    %sub3A = arith.subi %get3A_32, %mul3A_29 : i32
    %le3A = arith.constant 3072 : i32
    %le3A_33 = arith.cmpi sle, %sub3A, %le3A : i32
    %iota3A = tpu.iota {dimensions = array<i32: 1>} : vector<256x20xi32>
    %convert_element_type3A = arith.extui %le3A_33 : i1 to i32
    %cond3A = arith.constant 0 : i32
    %cond3A_34 = arith.cmpi ne, %convert_element_type3A, %cond3A : i32
    scf.if %cond3A_34 {
      %get3A_39 = arith.index_cast %mul3A_29 : i32 to index
      %get3A_40 = arith.constant 0 : index
      %get3A_41 = vector.load %arg3[%get3A_39, %get3A_40] : memref<10240x128xf32, #tpu.memory_space<vmem>>, vector<3072x128xf32>
      %dot_general3A_42 = arith.constant dense<0.000000e+00> : vector<256x3072xf32>
      %dot_general3A_43 = tpu.matmul %get3A_1, %get3A_41, %dot_general3A_42 {dimension_numbers = #tpu.dot_dimension_numbers<[1], [1], [0], [0], [0, 0, 1, 0], [], []>, transpose_lhs_hint = false} : vector<256x128xf32>, vector<3072x128xf32>, vector<256x3072xf32> -> vector<256x3072xf32>
      %get3A_44 = arith.constant 0 : index
      %get3A_45 = arith.index_cast %mul3A_29 : i32 to index
      %get3A_46 = vector.load %arg7[%get3A_44, %get3A_45] : memref<1x10240xf32, #tpu.memory_space<vmem>>, vector<1x3072xf32>
      %add3A_47 = vector.broadcast %get3A_22 : vector<256x1xf32> to vector<256x3072xf32>
      %add3A_48 = vector.broadcast %get3A_46 : vector<1x3072xf32> to vector<256x3072xf32>
      %add3A_49 = arith.addf %add3A_47, %add3A_48 : vector<256x3072xf32>
      %mul3A_50 = arith.constant 2.000000e+00 : f32
      %mul3A_51 = vector.broadcast %mul3A_50 : f32 to vector<256x3072xf32>
      %mul3A_52 = arith.mulf %mul3A_51, %dot_general3A_43 : vector<256x3072xf32>
      %sub3A_53 = arith.subf %add3A_49, %mul3A_52 : vector<256x3072xf32>
      %iota3A_54 = tpu.iota {dimensions = array<i32: 1>} : vector<256x3072xi32>
      %add3A_55 = vector.broadcast %mul3A_29 : i32 to vector<256x3072xi32>
      %add3A_56 = arith.addi %iota3A_54, %add3A_55 : vector<256x3072xi32>
      %iota3A_57 = tpu.iota {dimensions = array<i32: 0>} : vector<256x3072xi32>
      %mul3A_58 = arith.constant 256 : i32
      %mul3A_59 = arith.muli %arg0, %mul3A_58 : i32
      %add3A_60 = vector.broadcast %mul3A_59 : i32 to vector<256x3072xi32>
      %add3A_61 = arith.addi %iota3A_57, %add3A_60 : vector<256x3072xi32>
      %get3A_62 = arith.constant 0 : index
      %get3A_63 = arith.index_cast %mul3A_29 : i32 to index
      %get3A_64 = vector.load %arg5[%get3A_62, %get3A_63] : memref<1x10240xi32, #tpu.memory_space<vmem>>, vector<1x3072xi32>
      %eq3A = vector.broadcast %get3A_25 : vector<256x1xi32> to vector<256x3072xi32>
      %eq3A_65 = vector.broadcast %get3A_64 : vector<1x3072xi32> to vector<256x3072xi32>
      %eq3A_66 = arith.cmpi eq, %eq3A, %eq3A_65 : vector<256x3072xi32>
      %ne3A = arith.cmpi ne, %add3A_56, %add3A_61 : vector<256x3072xi32>
      %and3A = arith.andi %eq3A_66, %ne3A : vector<256x3072xi1>
      %jit3A = arith.constant 1.000000e+30 : f32
      %broadcast_in_dim3A = vector.broadcast %jit3A : f32 to vector<256x3072xf32>
      %select_n3A = arith.select %and3A, %sub3A_53, %broadcast_in_dim3A : vector<256x3072xi1>, vector<256x3072xf32>
      %swap3A_67 = arith.constant 0 : index
      %swap3A_68 = arith.constant 0 : index
      %swap3A_69 = vector.load %arg14[%swap3A_67, %swap3A_68] : memref<256x10240xf32, #tpu.memory_space<vmem>>, vector<256x3072xf32>
      tpu.vector_store %arg14[%swap3A_67, %swap3A_68], %select_n3A {strides = array<i32>} : memref<256x10240xf32, #tpu.memory_space<vmem>>, vector<256x3072xf32>,
      %broadcast_in_dim3A_70 = arith.constant 0xFF800000 : f32
      %broadcast_in_dim3A_71 = vector.broadcast %broadcast_in_dim3A_70 : f32 to vector<256x1xf32>
      %broadcast_in_dim3A_72 = arith.constant -1 : i32
      %broadcast_in_dim3A_73 = vector.broadcast %broadcast_in_dim3A_72 : i32 to vector<256x1xi32>
      %broadcast_in_dim3A_74 = arith.constant 0 : i32
      %broadcast_in_dim3A_75 = vector.broadcast %broadcast_in_dim3A_74 : i32 to vector<256x20xi32>
      %scan3A = arith.constant 0 : i32
      %scan3A_76 = arith.constant 20 : i32
      %scan3A_77 = arith.addi %scan3A, %scan3A_76 : i32
      %scan3A_78 = arith.constant 1 : i32
      %scan3A_79:3 = scf.for %scan3A_84 = %scan3A to %scan3A_77 step %scan3A_78 iter_args(%scan3A_85 = %broadcast_in_dim3A_71, %scan3A_86 = %broadcast_in_dim3A_73, %scan3A_87 = %broadcast_in_dim3A_75) -> (vector<256x1xf32>, vector<256x1xi32>, vector<256x20xi32>)  : i32 {
        %get3A_88 = arith.constant 0 : index
        %get3A_89 = arith.constant 0 : index
        %get3A_90 = vector.load %arg14[%get3A_88, %get3A_89] : memref<256x10240xf32, #tpu.memory_space<vmem>>, vector<256x3072xf32>
        %eq3A_91 = vector.broadcast %scan3A_85 : vector<256x1xf32> to vector<256x3072xf32>
        %eq3A_92 = arith.cmpf oeq, %get3A_90, %eq3A_91 : vector<256x3072xf32>
        %gt3A = vector.broadcast %scan3A_86 : vector<256x1xi32> to vector<256x3072xi32>
        %gt3A_93 = arith.cmpi sgt, %iota3A_54, %gt3A : vector<256x3072xi32>
        %and3A_94 = arith.andi %eq3A_92, %gt3A_93 : vector<256x3072xi1>
        %jit3A_95 = arith.constant 3072 : i32
        %broadcast_in_dim3A_96 = vector.broadcast %jit3A_95 : i32 to vector<256x3072xi32>
        %select_n3A_97 = arith.select %and3A_94, %iota3A_54, %broadcast_in_dim3A_96 : vector<256x3072xi1>, vector<256x3072xi32>
        %reduce_min3A = arith.constant dense<2147483647> : vector<256xi32>
        %reduce_min3A_98 = vector.multi_reduction <minsi>, %select_n3A_97, %reduce_min3A [1] : vector<256x3072xi32> to vector<256xi32>
        %broadcast_in_dim3A_99 = vector.shape_cast %reduce_min3A_98 : vector<256xi32> to vector<256x1xi32>
        %gt3A_100 = vector.broadcast %scan3A_85 : vector<256x1xf32> to vector<256x3072xf32>
        %gt3A_101 = arith.cmpf ogt, %get3A_90, %gt3A_100 : vector<256x3072xf32>
        %jit3A_102 = arith.constant 2.000000e+30 : f32
        %broadcast_in_dim3A_103 = vector.broadcast %jit3A_102 : f32 to vector<256x3072xf32>
        %select_n3A_104 = arith.select %gt3A_101, %get3A_90, %broadcast_in_dim3A_103 : vector<256x3072xi1>, vector<256x3072xf32>
        %reduce_min3A_105 = arith.constant dense<0x7F800000> : vector<256xf32>
        %reduce_min3A_106 = vector.multi_reduction <minimumf>, %select_n3A_104, %reduce_min3A_105 [1] : vector<256x3072xf32> to vector<256xf32>
        %broadcast_in_dim3A_107 = vector.shape_cast %reduce_min3A_106 : vector<256xf32> to vector<256x1xf32>
        %eq3A_108 = vector.broadcast %broadcast_in_dim3A_107 : vector<256x1xf32> to vector<256x3072xf32>
        %eq3A_109 = arith.cmpf oeq, %get3A_90, %eq3A_108 : vector<256x3072xf32>
        %jit3A_110 = arith.constant 3072 : i32
        %broadcast_in_dim3A_111 = vector.broadcast %jit3A_110 : i32 to vector<256x3072xi32>
        %select_n3A_112 = arith.select %eq3A_109, %iota3A_54, %broadcast_in_dim3A_111 : vector<256x3072xi1>, vector<256x3072xi32>
        %reduce_min3A_113 = arith.constant dense<2147483647> : vector<256xi32>
        %reduce_min3A_114 = vector.multi_reduction <minsi>, %select_n3A_112, %reduce_min3A_113 [1] : vector<256x3072xi32> to vector<256xi32>
        %broadcast_in_dim3A_115 = vector.shape_cast %reduce_min3A_114 : vector<256xi32> to vector<256x1xi32>
        %lt3A = arith.constant 3072 : i32
        %lt3A_116 = vector.broadcast %lt3A : i32 to vector<256x1xi32>
        %lt3A_117 = arith.cmpi slt, %broadcast_in_dim3A_99, %lt3A_116 : vector<256x1xi32>
        %select_n3A_118 = arith.select %lt3A_117, %scan3A_85, %broadcast_in_dim3A_107 : vector<256x1xi1>, vector<256x1xf32>
        %select_n3A_119 = arith.select %lt3A_117, %broadcast_in_dim3A_99, %broadcast_in_dim3A_115 : vector<256x1xi1>, vector<256x1xi32>
        %eq3A_120 = vector.broadcast %scan3A_84 : i32 to vector<256x20xi32>
        %eq3A_121 = arith.cmpi eq, %iota3A, %eq3A_120 : vector<256x20xi32>
        %add3A_122 = vector.broadcast %mul3A_29 : i32 to vector<256x1xi32>
        %add3A_123 = arith.addi %select_n3A_119, %add3A_122 : vector<256x1xi32>
        %broadcast_in_dim3A_124 = vector.shape_cast %add3A_123 : vector<256x1xi32> to vector<256x1xi32>
        %broadcast_in_dim3A_125 = vector.broadcast %broadcast_in_dim3A_124 : vector<256x1xi32> to vector<256x20xi32>
        %select_n3A_126 = arith.select %eq3A_121, %broadcast_in_dim3A_125, %scan3A_87 : vector<256x20xi1>, vector<256x20xi32>
        scf.yield %select_n3A_118, %select_n3A_119, %select_n3A_126 : vector<256x1xf32>, vector<256x1xi32>, vector<256x20xi32>
      }
      %scan3A_80 = arith.constant 20 : i32
      %swap3A_81 = arith.constant 0 : index
      %swap3A_82 = arith.constant 0 : index
      %swap3A_83 = vector.load %arg11[%swap3A_81, %swap3A_82] : memref<256x20xi32, #tpu.memory_space<vmem>>, vector<256x20xi32>
      tpu.vector_store %arg11[%swap3A_81, %swap3A_82], %scan3A_79#2 {strides = array<i32>} : memref<256x20xi32, #tpu.memory_space<vmem>>, vector<256x20xi32>,
    } else {
    }
    %not3A = arith.constant true
    %not3A_35 = arith.xori %le3A_33, %not3A : i1
    %convert_element_type3A_36 = arith.extui %not3A_35 : i1 to i32
    %cond3A_37 = arith.constant 0 : i32
    %cond3A_38 = arith.cmpi ne, %convert_element_type3A_36, %cond3A_37 : i32
    scf.if %cond3A_38 {
      %get3A_39 = arith.constant 0 : index
      %get3A_40 = arith.constant 0 : index
      %get3A_41 = vector.load %arg3[%get3A_39, %get3A_40] : memref<10240x128xf32, #tpu.memory_space<vmem>>, vector<10240x128xf32>
      %dot_general3A_42 = arith.constant dense<0.000000e+00> : vector<256x10240xf32>
      %dot_general3A_43 = tpu.matmul %get3A_1, %get3A_41, %dot_general3A_42 {dimension_numbers = #tpu.dot_dimension_numbers<[1], [1], [0], [0], [0, 0, 1, 0], [], []>, transpose_lhs_hint = false} : vector<256x128xf32>, vector<10240x128xf32>, vector<256x10240xf32> -> vector<256x10240xf32>
      %get3A_44 = arith.constant 0 : index
      %get3A_45 = arith.constant 0 : index
      %get3A_46 = vector.load %arg7[%get3A_44, %get3A_45] : memref<1x10240xf32, #tpu.memory_space<vmem>>, vector<1x10240xf32>
      %add3A_47 = vector.broadcast %get3A_22 : vector<256x1xf32> to vector<256x10240xf32>
      %add3A_48 = vector.broadcast %get3A_46 : vector<1x10240xf32> to vector<256x10240xf32>
      %add3A_49 = arith.addf %add3A_47, %add3A_48 : vector<256x10240xf32>
      %mul3A_50 = arith.constant 2.000000e+00 : f32
      %mul3A_51 = vector.broadcast %mul3A_50 : f32 to vector<256x10240xf32>
      %mul3A_52 = arith.mulf %mul3A_51, %dot_general3A_43 : vector<256x10240xf32>
      %sub3A_53 = arith.subf %add3A_49, %mul3A_52 : vector<256x10240xf32>
      %iota3A_54 = tpu.iota {dimensions = array<i32: 1>} : vector<256x10240xi32>
      %add3A_55 = arith.constant 0 : i32
      %add3A_56 = vector.broadcast %add3A_55 : i32 to vector<256x10240xi32>
      %add3A_57 = arith.addi %iota3A_54, %add3A_56 : vector<256x10240xi32>
      %iota3A_58 = tpu.iota {dimensions = array<i32: 0>} : vector<256x10240xi32>
      %mul3A_59 = arith.constant 256 : i32
      %mul3A_60 = arith.muli %arg0, %mul3A_59 : i32
      %add3A_61 = vector.broadcast %mul3A_60 : i32 to vector<256x10240xi32>
      %add3A_62 = arith.addi %iota3A_58, %add3A_61 : vector<256x10240xi32>
      %get3A_63 = arith.constant 0 : index
      %get3A_64 = arith.constant 0 : index
      %get3A_65 = vector.load %arg5[%get3A_63, %get3A_64] : memref<1x10240xi32, #tpu.memory_space<vmem>>, vector<1x10240xi32>
      %eq3A = vector.broadcast %get3A_25 : vector<256x1xi32> to vector<256x10240xi32>
      %eq3A_66 = vector.broadcast %get3A_65 : vector<1x10240xi32> to vector<256x10240xi32>
      %eq3A_67 = arith.cmpi eq, %eq3A, %eq3A_66 : vector<256x10240xi32>
      %ne3A = arith.cmpi ne, %add3A_57, %add3A_62 : vector<256x10240xi32>
      %and3A = arith.andi %eq3A_67, %ne3A : vector<256x10240xi1>
      %jit3A = arith.constant 1.000000e+30 : f32
      %broadcast_in_dim3A = vector.broadcast %jit3A : f32 to vector<256x10240xf32>
      %select_n3A = arith.select %and3A, %sub3A_53, %broadcast_in_dim3A : vector<256x10240xi1>, vector<256x10240xf32>
      %swap3A_68 = arith.constant 0 : index
      %swap3A_69 = arith.constant 0 : index
      %swap3A_70 = vector.load %arg14[%swap3A_68, %swap3A_69] : memref<256x10240xf32, #tpu.memory_space<vmem>>, vector<256x10240xf32>
      tpu.vector_store %arg14[%swap3A_68, %swap3A_69], %select_n3A {strides = array<i32>} : memref<256x10240xf32, #tpu.memory_space<vmem>>, vector<256x10240xf32>,
      %broadcast_in_dim3A_71 = arith.constant 0xFF800000 : f32
      %broadcast_in_dim3A_72 = vector.broadcast %broadcast_in_dim3A_71 : f32 to vector<256x1xf32>
      %broadcast_in_dim3A_73 = arith.constant -1 : i32
      %broadcast_in_dim3A_74 = vector.broadcast %broadcast_in_dim3A_73 : i32 to vector<256x1xi32>
      %broadcast_in_dim3A_75 = arith.constant 0 : i32
      %broadcast_in_dim3A_76 = vector.broadcast %broadcast_in_dim3A_75 : i32 to vector<256x20xi32>
      %scan3A = arith.constant 0 : i32
      %scan3A_77 = arith.constant 20 : i32
      %scan3A_78 = arith.addi %scan3A, %scan3A_77 : i32
      %scan3A_79 = arith.constant 1 : i32
      %scan3A_80:3 = scf.for %scan3A_85 = %scan3A to %scan3A_78 step %scan3A_79 iter_args(%scan3A_86 = %broadcast_in_dim3A_72, %scan3A_87 = %broadcast_in_dim3A_74, %scan3A_88 = %broadcast_in_dim3A_76) -> (vector<256x1xf32>, vector<256x1xi32>, vector<256x20xi32>)  : i32 {
        %get3A_89 = arith.constant 0 : index
        %get3A_90 = arith.constant 0 : index
        %get3A_91 = vector.load %arg14[%get3A_89, %get3A_90] : memref<256x10240xf32, #tpu.memory_space<vmem>>, vector<256x10240xf32>
        %eq3A_92 = vector.broadcast %scan3A_86 : vector<256x1xf32> to vector<256x10240xf32>
        %eq3A_93 = arith.cmpf oeq, %get3A_91, %eq3A_92 : vector<256x10240xf32>
        %gt3A = vector.broadcast %scan3A_87 : vector<256x1xi32> to vector<256x10240xi32>
        %gt3A_94 = arith.cmpi sgt, %iota3A_54, %gt3A : vector<256x10240xi32>
        %and3A_95 = arith.andi %eq3A_93, %gt3A_94 : vector<256x10240xi1>
        %jit3A_96 = arith.constant 10240 : i32
        %broadcast_in_dim3A_97 = vector.broadcast %jit3A_96 : i32 to vector<256x10240xi32>
        %select_n3A_98 = arith.select %and3A_95, %iota3A_54, %broadcast_in_dim3A_97 : vector<256x10240xi1>, vector<256x10240xi32>
        %reduce_min3A = arith.constant dense<2147483647> : vector<256xi32>
        %reduce_min3A_99 = vector.multi_reduction <minsi>, %select_n3A_98, %reduce_min3A [1] : vector<256x10240xi32> to vector<256xi32>
        %broadcast_in_dim3A_100 = vector.shape_cast %reduce_min3A_99 : vector<256xi32> to vector<256x1xi32>
        %gt3A_101 = vector.broadcast %scan3A_86 : vector<256x1xf32> to vector<256x10240xf32>
        %gt3A_102 = arith.cmpf ogt, %get3A_91, %gt3A_101 : vector<256x10240xf32>
        %jit3A_103 = arith.constant 2.000000e+30 : f32
        %broadcast_in_dim3A_104 = vector.broadcast %jit3A_103 : f32 to vector<256x10240xf32>
        %select_n3A_105 = arith.select %gt3A_102, %get3A_91, %broadcast_in_dim3A_104 : vector<256x10240xi1>, vector<256x10240xf32>
        %reduce_min3A_106 = arith.constant dense<0x7F800000> : vector<256xf32>
        %reduce_min3A_107 = vector.multi_reduction <minimumf>, %select_n3A_105, %reduce_min3A_106 [1] : vector<256x10240xf32> to vector<256xf32>
        %broadcast_in_dim3A_108 = vector.shape_cast %reduce_min3A_107 : vector<256xf32> to vector<256x1xf32>
        %eq3A_109 = vector.broadcast %broadcast_in_dim3A_108 : vector<256x1xf32> to vector<256x10240xf32>
        %eq3A_110 = arith.cmpf oeq, %get3A_91, %eq3A_109 : vector<256x10240xf32>
        %jit3A_111 = arith.constant 10240 : i32
        %broadcast_in_dim3A_112 = vector.broadcast %jit3A_111 : i32 to vector<256x10240xi32>
        %select_n3A_113 = arith.select %eq3A_110, %iota3A_54, %broadcast_in_dim3A_112 : vector<256x10240xi1>, vector<256x10240xi32>
        %reduce_min3A_114 = arith.constant dense<2147483647> : vector<256xi32>
        %reduce_min3A_115 = vector.multi_reduction <minsi>, %select_n3A_113, %reduce_min3A_114 [1] : vector<256x10240xi32> to vector<256xi32>
        %broadcast_in_dim3A_116 = vector.shape_cast %reduce_min3A_115 : vector<256xi32> to vector<256x1xi32>
        %lt3A = arith.constant 10240 : i32
        %lt3A_117 = vector.broadcast %lt3A : i32 to vector<256x1xi32>
        %lt3A_118 = arith.cmpi slt, %broadcast_in_dim3A_100, %lt3A_117 : vector<256x1xi32>
        %select_n3A_119 = arith.select %lt3A_118, %scan3A_86, %broadcast_in_dim3A_108 : vector<256x1xi1>, vector<256x1xf32>
        %select_n3A_120 = arith.select %lt3A_118, %broadcast_in_dim3A_100, %broadcast_in_dim3A_116 : vector<256x1xi1>, vector<256x1xi32>
        %eq3A_121 = vector.broadcast %scan3A_85 : i32 to vector<256x20xi32>
        %eq3A_122 = arith.cmpi eq, %iota3A, %eq3A_121 : vector<256x20xi32>
        %add3A_123 = arith.constant 0 : i32
        %add3A_124 = vector.broadcast %add3A_123 : i32 to vector<256x1xi32>
        %add3A_125 = arith.addi %select_n3A_120, %add3A_124 : vector<256x1xi32>
        %broadcast_in_dim3A_126 = vector.shape_cast %add3A_125 : vector<256x1xi32> to vector<256x1xi32>
        %broadcast_in_dim3A_127 = vector.broadcast %broadcast_in_dim3A_126 : vector<256x1xi32> to vector<256x20xi32>
        %select_n3A_128 = arith.select %eq3A_122, %broadcast_in_dim3A_127, %scan3A_88 : vector<256x20xi1>, vector<256x20xi32>
        scf.yield %select_n3A_119, %select_n3A_120, %select_n3A_128 : vector<256x1xf32>, vector<256x1xi32>, vector<256x20xi32>
      }
      %scan3A_81 = arith.constant 20 : i32
      %swap3A_82 = arith.constant 0 : index
      %swap3A_83 = arith.constant 0 : index
      %swap3A_84 = vector.load %arg11[%swap3A_82, %swap3A_83] : memref<256x20xi32, #tpu.memory_space<vmem>>, vector<256x20xi32>
      tpu.vector_store %arg11[%swap3A_82, %swap3A_83], %scan3A_80#2 {strides = array<i32>} : memref<256x20xi32, #tpu.memory_space<vmem>>, vector<256x20xi32>,
    } else {
    }
    return
  }
  func.func @transform_0(%arg0: i32, %arg1: memref<2x40xi32, #tpu.memory_space<smem>>) -> (i32, i32) {
    %c0_i32 = arith.constant 0 : i32
    %c0_i32_0 = arith.constant 0 : i32
    return %arg0, %c0_i32 : i32, i32
  }
  func.func @transform_1(%arg0: i32, %arg1: memref<2x40xi32, #tpu.memory_space<smem>>) -> (i32, i32) {
    %c0_i32 = arith.constant 0 : i32
    %c0_i32_0 = arith.constant 0 : i32
    %c0_i32_1 = arith.constant 0 : i32
    return %c0_i32, %c0_i32_0 : i32, i32
  }
  func.func @transform_2(%arg0: i32, %arg1: memref<2x40xi32, #tpu.memory_space<smem>>) -> (i32, i32) {
    %c0_i32 = arith.constant 0 : i32
    %c0_i32_0 = arith.constant 0 : i32
    return %arg0, %c0_i32 : i32, i32
  }
  func.func @transform_3(%arg0: i32, %arg1: memref<2x40xi32, #tpu.memory_space<smem>>) -> (i32, i32) {
    %c0_i32 = arith.constant 0 : i32
    %c0_i32_0 = arith.constant 0 : i32
    %c0_i32_1 = arith.constant 0 : i32
    return %c0_i32, %c0_i32_0 : i32, i32
  }
  func.func @transform_4(%arg0: i32, %arg1: memref<2x40xi32, #tpu.memory_space<smem>>) -> (i32, i32) {
    %c0_i32 = arith.constant 0 : i32
    %c0_i32_0 = arith.constant 0 : i32
    return %arg0, %c0_i32 : i32, i32
  }
  func.func @transform_5(%arg0: i32, %arg1: memref<2x40xi32, #tpu.memory_space<smem>>) -> (i32, i32) {
    %c0_i32 = arith.constant 0 : i32
    %c0_i32_0 = arith.constant 0 : i32
    %c0_i32_1 = arith.constant 0 : i32
    return %c0_i32, %c0_i32_0 : i32, i32
  }
  func.func @transform_6(%arg0: i32, %arg1: memref<2x40xi32, #tpu.memory_space<smem>>) -> (i32, i32) {
    %c0_i32 = arith.constant 0 : i32
    %c0_i32_0 = arith.constant 0 : i32
    %c0_i32_1 = arith.constant 0 : i32
    return %c0_i32, %c0_i32_0 : i32, i32
  }
  func.func @transform_7(%arg0: i32, %arg1: memref<2x40xi32, #tpu.memory_space<smem>>) -> (i32, i32) {
    %c0_i32 = arith.constant 0 : i32
    %c0_i32_0 = arith.constant 0 : i32
    %c0_i32_1 = arith.constant 0 : i32
    return %c0_i32, %c0_i32_0 : i32, i32
  }
  func.func @transform_8(%arg0: i32, %arg1: memref<2x40xi32, #tpu.memory_space<smem>>) -> (i32, i32) {
    %c0_i32 = arith.constant 0 : i32
    %c0_i32_0 = arith.constant 0 : i32
    %c0_i32_1 = arith.constant 0 : i32
    return %c0_i32, %c0_i32_0 : i32, i32
  }
  func.func @transform_9(%arg0: i32, %arg1: memref<2x40xi32, #tpu.memory_space<smem>>) -> (i32, i32) {
    %c0_i32 = arith.constant 0 : i32
    %c0_i32_0 = arith.constant 0 : i32
    return %arg0, %c0_i32 : i32, i32
  }
  func.func @transform_10(%arg0: i32, %arg1: memref<2x40xi32, #tpu.memory_space<smem>>) -> (i32, i32) {
    %c0_i32 = arith.constant 0 : i32
    %c0_i32_0 = arith.constant 0 : i32
    return %arg0, %c0_i32 : i32, i32
  }
  func.func @transform_11(%arg0: i32, %arg1: memref<2x40xi32, #tpu.memory_space<smem>>) -> (i32, i32) {
    %c0_i32 = arith.constant 0 : i32
    %c0_i32_0 = arith.constant 0 : i32
    return %arg0, %c0_i32 : i32, i32
  }
}

module attributes {stable_mosaic.version = 14 : i64} {
  func.func @_stats_body(%arg0: i32, %arg1: memref<128x128xf32, #tpu.memory_space<vmem>>, %arg2: memref<128x20x128xf32, #tpu.memory_space<vmem>>, %arg3: memref<1x128xf32, #tpu.memory_space<vmem>>, %arg4: memref<1x128xf32, #tpu.memory_space<vmem>>) attributes {dimension_semantics = [#tpu.dimension_semantics<arbitrary>], iteration_bounds = array<i64: 80>, scalar_prefetch = 0 : i64, scratch_operands = 0 : i64, tpu.core_type = #tpu.core_type<tc>, window_params = [{transform_indices = @transform_0, window_bounds = array<i64: 128, 128>}, {transform_indices = @transform_1, window_bounds = array<i64: 128, 20, 128>}, {pipeline_mode = #tpu.pipeline_mode<synchronous>, transform_indices = @transform_2, window_bounds = array<i64: 1, 128>}, {pipeline_mode = #tpu.pipeline_mode<synchronous>, transform_indices = @transform_3, window_bounds = array<i64: 1, 128>}]} {
    %eq3A = arith.constant 0 : i32
    %eq3A_0 = arith.cmpi eq, %arg0, %eq3A : i32
    %convert_element_type3A = arith.extui %eq3A_0 : i1 to i32
    %cond3A = arith.constant 0 : i32
    %cond3A_1 = arith.cmpi ne, %convert_element_type3A, %cond3A : i32
    scf.if %cond3A_1 {
      %broadcast_in_dim3A_41 = arith.constant 0.000000e+00 : f32
      %broadcast_in_dim3A_42 = vector.broadcast %broadcast_in_dim3A_41 : f32 to vector<1x128xf32>
      %swap3A_43 = arith.constant 0 : index
      %swap3A_44 = arith.constant 0 : index
      %swap3A_45 = vector.load %arg3[%swap3A_43, %swap3A_44] : memref<1x128xf32, #tpu.memory_space<vmem>>, vector<1x128xf32>
      tpu.vector_store %arg3[%swap3A_43, %swap3A_44], %broadcast_in_dim3A_42 {strides = array<i32>} : memref<1x128xf32, #tpu.memory_space<vmem>>, vector<1x128xf32>,
      %broadcast_in_dim3A_46 = arith.constant 0.000000e+00 : f32
      %broadcast_in_dim3A_47 = vector.broadcast %broadcast_in_dim3A_46 : f32 to vector<1x128xf32>
      %swap3A_48 = arith.constant 0 : index
      %swap3A_49 = arith.constant 0 : index
      %swap3A_50 = vector.load %arg4[%swap3A_48, %swap3A_49] : memref<1x128xf32, #tpu.memory_space<vmem>>, vector<1x128xf32>
      tpu.vector_store %arg4[%swap3A_48, %swap3A_49], %broadcast_in_dim3A_47 {strides = array<i32>} : memref<1x128xf32, #tpu.memory_space<vmem>>, vector<1x128xf32>,
    } else {
    }
    %iota3A = tpu.iota {dimensions = array<i32: 0>} : vector<128x1xi32>
    %mul3A = arith.constant 128 : i32
    %mul3A_2 = arith.muli %arg0, %mul3A : i32
    %add3A = vector.broadcast %mul3A_2 : i32 to vector<128x1xi32>
    %add3A_3 = arith.addi %iota3A, %add3A : vector<128x1xi32>
    %lt3A = arith.constant 10000 : i32
    %lt3A_4 = vector.broadcast %lt3A : i32 to vector<128x1xi32>
    %lt3A_5 = arith.cmpi slt, %add3A_3, %lt3A_4 : vector<128x1xi32>
    %broadcast_in_dim3A = vector.shape_cast %lt3A_5 : vector<128x1xi1> to vector<128x1x1xi1>
    %get3A = arith.constant 0 : index
    %get3A_6 = arith.constant 0 : index
    %get3A_7 = vector.load %arg1[%get3A, %get3A_6] : memref<128x128xf32, #tpu.memory_space<vmem>>, vector<128x128xf32>
    %broadcast_in_dim3A_8 = vector.shape_cast %get3A_7 : vector<128x128xf32> to vector<128x1x128xf32>
    %get3A_9 = arith.constant 0 : index
    %get3A_10 = arith.constant 0 : index
    %get3A_11 = arith.constant 0 : index
    %get3A_12 = vector.load %arg2[%get3A_9, %get3A_10, %get3A_11] : memref<128x20x128xf32, #tpu.memory_space<vmem>>, vector<128x20x128xf32>
    %add3A_13 = vector.broadcast %broadcast_in_dim3A_8 : vector<128x1x128xf32> to vector<128x20x128xf32>
    %add3A_14 = arith.addf %add3A_13, %get3A_12 : vector<128x20x128xf32>
    %jit3A = arith.constant 0.000000e+00 : f32
    %broadcast_in_dim3A_15 = vector.shape_cast %broadcast_in_dim3A : vector<128x1x1xi1> to vector<128x1x1xi1>
    %broadcast_in_dim3A_16 = vector.broadcast %broadcast_in_dim3A_15 : vector<128x1x1xi1> to vector<128x20x128xi1>
    %broadcast_in_dim3A_17 = vector.broadcast %jit3A : f32 to vector<128x20x128xf32>
    %select_n3A = arith.select %broadcast_in_dim3A_16, %add3A_14, %broadcast_in_dim3A_17 : vector<128x20x128xi1>, vector<128x20x128xf32>
    %get3A_18 = arith.constant 0 : index
    %get3A_19 = arith.constant 0 : index
    %get3A_20 = vector.load %arg3[%get3A_18, %get3A_19] : memref<1x128xf32, #tpu.memory_space<vmem>>, vector<1x128xf32>
    %reduce_sum3A = arith.constant dense<0.000000e+00> : vector<128x128xf32>
    %reduce_sum3A_21 = vector.multi_reduction <add>, %select_n3A, %reduce_sum3A [1] : vector<128x20x128xf32> to vector<128x128xf32>
    %reduce_sum3A_22 = arith.constant dense<0.000000e+00> : vector<128xf32>
    %reduce_sum3A_23 = vector.multi_reduction <add>, %reduce_sum3A_21, %reduce_sum3A_22 [0] : vector<128x128xf32> to vector<128xf32>
    %broadcast_in_dim3A_24 = vector.shape_cast %reduce_sum3A_23 : vector<128xf32> to vector<1x128xf32>
    %add3A_25 = arith.addf %get3A_20, %broadcast_in_dim3A_24 : vector<1x128xf32>
    %swap3A = arith.constant 0 : index
    %swap3A_26 = arith.constant 0 : index
    %swap3A_27 = vector.load %arg3[%swap3A, %swap3A_26] : memref<1x128xf32, #tpu.memory_space<vmem>>, vector<1x128xf32>
    tpu.vector_store %arg3[%swap3A, %swap3A_26], %add3A_25 {strides = array<i32>} : memref<1x128xf32, #tpu.memory_space<vmem>>, vector<1x128xf32>,
    %get3A_28 = arith.constant 0 : index
    %get3A_29 = arith.constant 0 : index
    %get3A_30 = vector.load %arg4[%get3A_28, %get3A_29] : memref<1x128xf32, #tpu.memory_space<vmem>>, vector<1x128xf32>
    %mul3A_31 = arith.mulf %select_n3A, %select_n3A : vector<128x20x128xf32>
    %reduce_sum3A_32 = arith.constant dense<0.000000e+00> : vector<128x128xf32>
    %reduce_sum3A_33 = vector.multi_reduction <add>, %mul3A_31, %reduce_sum3A_32 [1] : vector<128x20x128xf32> to vector<128x128xf32>
    %reduce_sum3A_34 = arith.constant dense<0.000000e+00> : vector<128xf32>
    %reduce_sum3A_35 = vector.multi_reduction <add>, %reduce_sum3A_33, %reduce_sum3A_34 [0] : vector<128x128xf32> to vector<128xf32>
    %broadcast_in_dim3A_36 = vector.shape_cast %reduce_sum3A_35 : vector<128xf32> to vector<1x128xf32>
    %add3A_37 = arith.addf %get3A_30, %broadcast_in_dim3A_36 : vector<1x128xf32>
    %swap3A_38 = arith.constant 0 : index
    %swap3A_39 = arith.constant 0 : index
    %swap3A_40 = vector.load %arg4[%swap3A_38, %swap3A_39] : memref<1x128xf32, #tpu.memory_space<vmem>>, vector<1x128xf32>
    tpu.vector_store %arg4[%swap3A_38, %swap3A_39], %add3A_37 {strides = array<i32>} : memref<1x128xf32, #tpu.memory_space<vmem>>, vector<1x128xf32>,
    return
  }
  func.func @transform_0(%arg0: i32) -> (i32, i32) {
    %c0_i32 = arith.constant 0 : i32
    %c0_i32_0 = arith.constant 0 : i32
    return %arg0, %c0_i32 : i32, i32
  }
  func.func @transform_1(%arg0: i32) -> (i32, i32, i32) {
    %c0_i32 = arith.constant 0 : i32
    %c0_i32_0 = arith.constant 0 : i32
    %c0_i32_1 = arith.constant 0 : i32
    return %arg0, %c0_i32, %c0_i32_0 : i32, i32, i32
  }
  func.func @transform_2(%arg0: i32) -> (i32, i32) {
    %c0_i32 = arith.constant 0 : i32
    %c0_i32_0 = arith.constant 0 : i32
    %c0_i32_1 = arith.constant 0 : i32
    return %c0_i32, %c0_i32_0 : i32, i32
  }
  func.func @transform_3(%arg0: i32) -> (i32, i32) {
    %c0_i32 = arith.constant 0 : i32
    %c0_i32_0 = arith.constant 0 : i32
    %c0_i32_1 = arith.constant 0 : i32
    return %c0_i32, %c0_i32_0 : i32, i32
  }
}

module attributes {stable_mosaic.version = 14 : i64} {
  func.func @_out_body(%arg0: i32, %arg1: memref<128x128xf32, #tpu.memory_space<vmem>>, %arg2: memref<128x20x128xf32, #tpu.memory_space<vmem>>, %arg3: memref<1x128xf32, #tpu.memory_space<vmem>>, %arg4: memref<1x128xf32, #tpu.memory_space<vmem>>, %arg5: memref<128x128xf32, #tpu.memory_space<vmem>>) attributes {dimension_semantics = [#tpu.dimension_semantics<arbitrary>], iteration_bounds = array<i64: 80>, scalar_prefetch = 0 : i64, scratch_operands = 0 : i64, tpu.core_type = #tpu.core_type<tc>, window_params = [{transform_indices = @transform_0, window_bounds = array<i64: 128, 128>}, {transform_indices = @transform_1, window_bounds = array<i64: 128, 20, 128>}, {pipeline_mode = #tpu.pipeline_mode<synchronous>, transform_indices = @transform_2, window_bounds = array<i64: 1, 128>}, {pipeline_mode = #tpu.pipeline_mode<synchronous>, transform_indices = @transform_3, window_bounds = array<i64: 1, 128>}, {transform_indices = @transform_4, window_bounds = array<i64: 128, 128>}]} {
    %get3A = arith.constant 0 : index
    %get3A_0 = arith.constant 0 : index
    %get3A_1 = vector.load %arg1[%get3A, %get3A_0] : memref<128x128xf32, #tpu.memory_space<vmem>>, vector<128x128xf32>
    %broadcast_in_dim3A = vector.shape_cast %get3A_1 : vector<128x128xf32> to vector<128x1x128xf32>
    %get3A_2 = arith.constant 0 : index
    %get3A_3 = arith.constant 0 : index
    %get3A_4 = arith.constant 0 : index
    %get3A_5 = vector.load %arg2[%get3A_2, %get3A_3, %get3A_4] : memref<128x20x128xf32, #tpu.memory_space<vmem>>, vector<128x20x128xf32>
    %add3A = vector.broadcast %broadcast_in_dim3A : vector<128x1x128xf32> to vector<128x20x128xf32>
    %add3A_6 = arith.addf %add3A, %get3A_5 : vector<128x20x128xf32>
    %get3A_7 = arith.constant 0 : index
    %get3A_8 = arith.constant 0 : index
    %get3A_9 = vector.load %arg3[%get3A_7, %get3A_8] : memref<1x128xf32, #tpu.memory_space<vmem>>, vector<1x128xf32>
    %broadcast_in_dim3A_10 = vector.shape_cast %get3A_9 : vector<1x128xf32> to vector<1x1x128xf32>
    %mul3A = vector.broadcast %broadcast_in_dim3A_10 : vector<1x1x128xf32> to vector<128x20x128xf32>
    %mul3A_11 = arith.mulf %mul3A, %add3A_6 : vector<128x20x128xf32>
    %get3A_12 = arith.constant 0 : index
    %get3A_13 = arith.constant 0 : index
    %get3A_14 = vector.load %arg4[%get3A_12, %get3A_13] : memref<1x128xf32, #tpu.memory_space<vmem>>, vector<1x128xf32>
    %broadcast_in_dim3A_15 = vector.shape_cast %get3A_14 : vector<1x128xf32> to vector<1x1x128xf32>
    %add3A_16 = vector.broadcast %broadcast_in_dim3A_15 : vector<1x1x128xf32> to vector<128x20x128xf32>
    %add3A_17 = arith.addf %mul3A_11, %add3A_16 : vector<128x20x128xf32>
    %max3A = arith.constant 0.000000e+00 : f32
    %max3A_18 = vector.broadcast %max3A : f32 to vector<128x20x128xf32>
    %max3A_19 = arith.maximumf %add3A_17, %max3A_18 : vector<128x20x128xf32>
    %reduce_sum3A = arith.constant dense<0.000000e+00> : vector<128x128xf32>
    %reduce_sum3A_20 = vector.multi_reduction <add>, %max3A_19, %reduce_sum3A [1] : vector<128x20x128xf32> to vector<128x128xf32>
    %swap3A = arith.constant 0 : index
    %swap3A_21 = arith.constant 0 : index
    %swap3A_22 = vector.load %arg5[%swap3A, %swap3A_21] : memref<128x128xf32, #tpu.memory_space<vmem>>, vector<128x128xf32>
    tpu.vector_store %arg5[%swap3A, %swap3A_21], %reduce_sum3A_20 {strides = array<i32>} : memref<128x128xf32, #tpu.memory_space<vmem>>, vector<128x128xf32>,
    return
  }
  func.func @transform_0(%arg0: i32) -> (i32, i32) {
    %c0_i32 = arith.constant 0 : i32
    %c0_i32_0 = arith.constant 0 : i32
    return %arg0, %c0_i32 : i32, i32
  }
  func.func @transform_1(%arg0: i32) -> (i32, i32, i32) {
    %c0_i32 = arith.constant 0 : i32
    %c0_i32_0 = arith.constant 0 : i32
    %c0_i32_1 = arith.constant 0 : i32
    return %arg0, %c0_i32, %c0_i32_0 : i32, i32, i32
  }
  func.func @transform_2(%arg0: i32) -> (i32, i32) {
    %c0_i32 = arith.constant 0 : i32
    %c0_i32_0 = arith.constant 0 : i32
    %c0_i32_1 = arith.constant 0 : i32
    return %c0_i32, %c0_i32_0 : i32, i32
  }
  func.func @transform_3(%arg0: i32) -> (i32, i32) {
    %c0_i32 = arith.constant 0 : i32
    %c0_i32_0 = arith.constant 0 : i32
    %c0_i32_1 = arith.constant 0 : i32
    return %c0_i32, %c0_i32_0 : i32, i32
  }
  func.func @transform_4(%arg0: i32) -> (i32, i32) {
    %c0_i32 = arith.constant 0 : i32
    %c0_i32_0 = arith.constant 0 : i32
    return %arg0, %c0_i32 : i32, i32
  }
}

</mosaic_0001>

<sc_bundles>
// kernel: kernel.6.cloned.1.call-start
scs
__scs_entry_jumppad:
0x0: {  	(pc) =	sbr.rel $0x88, $3  }
0x1: {  	(tag) =	ssettag $0x0;
	lr =	simm.s32 $0x1  }
0x2: {  	[smem:$0x3F9B] =	sst lr;
	_ =	strace $0xD0000000  }
0x3: {  	_ = 	snop  }
0x4: {  	_ = 	snop  }
0x5: {  	_ = 	snop  }
0x6: {  	_ = 	snop  }
0x7: {  	_ = 	snop  }
__scs_overlays_trampoline_lowered:
0x8: {  	[smem:$0x3FAA] =	sst s0  }
0x9: {  	[smem:$0x3FAB] =	sst s1  }
0xa: {  	[smem:$0x3FAC] =	sst s2  }
0xb: {  	[smem:$0x3FAD] =	sst s3  }
0xc: {  	[smem:$0x3FAE] =	sst s4  }
0xd: {  	[smem:$0x3FAF] =	sst s5  }
0xe: {  	[smem:$0x3FB0] =	sst s6  }
0xf: {  	[smem:$0x3FB1] =	sst s7  }
0x10: {  	[smem:$0x3FB2] =	sst s8  }
0x11: {  	[smem:$0x3FB3] =	sst s9;
	s0 =	simm.s32 @!p0 $0x0  }
0x12: {  	s1 =	sld [smem:$0x3F99];
	s0 =	simm.s32 @p0 $0x1  }
0x13: {  	[smem:$0x3FB4] =	sst s0;
	s0 =	simm.s32 @!p1 $0x0  }
0x14: {  	s2 =	sld [smem:$0x3F98];
	s0 =	simm.s32 @p1 $0x1  }
0x15: {  	[smem:$0x3FB5] =	sst s0;
	s0 =	simm.s32 @!p2 $0x0  }
0x16: {  	s3 =	sld [smem:$0x3FDB];
	s0 =	simm.s32 @p2 $0x1  }
0x17: {  	s4 =	simm.s32 $0x1BF5;
	[smem:$0x3FB7] =	sst s0  }
0x18: {  	s0 =	sld [smem:$0x3F9A];
	_ =	swait.ge [sflag:s4], $0x0  }
0x19: {  	s7 =	sld [smem:$0x3F9B]  }
0x1a: {  	s8 =	sadd.s32 $0xFFFFE003, lr  }
0x1b: {  	s9 =	sadd.s32 $0xFFFFFEF7, lr;
	s5 =	simm.s32 $0xFFFFFFFF;
	p2 =	slt.u32 s8, $0xFFFFF086  }
0x1c: {  	p1 =	slt.u32 s9, $0xF7A;
	s5 =	simm.s32 @!p2 $0x0  }
0x1d: {  	s5 =	simm.s32 @p1 $0x1;
	p0 =	seq.s32 s7, s2  }
0x1e: {  	s7 =	smul.u32 @!p0 $0xF7A, s2;
	p2 =	seq.s32 @!p0 s5, $0x0  }
0x1f: {  	s9 =	smul.u32 $0xF7A, s1;
	s8 =	simm.s32 @!p0 $0x1BF5;
	p2 =	por !p2, p0  }
0x20: {  	[sflag:s8] =	ssyncset.s32 @!p0 $0xFFFFF086;
	s6 =	sadd.s32 @!p0 s3, s7;
	s7 =	simm.s32 @!p0 $0x108  }
0x21: {  	s3 =	sadd.s32 s3, s9;
	s6 =	sadd.s32 @!p0 $0x88, s6;
	s7 =	simm.s32 @p2 $0x1082  }
0x22: {  	[simem:s7], [sflag:s8] =	dma.local @!p0 [hbm:s6], $0xF7A  }
0x23: {  	s9 =	sor.u32 $0xD0000000, s2;
	s6 =	simm.s32 $0x108;
	_ =	swait.ge @!p0 [sflag:s8], $0x0  }
0x24: {  	s3 =	sadd.s32 $0x88, s3;
	s6 =	simm.s32 @!p1 $0x1082;
	[sflag:s4] =	ssyncset.s32 $0xFFFFF086  }
0x25: {  	[simem:s6], [sflag:s4] =	dma.local [hbm:s3], $0xF7A  }
0x26: {  	[smem:$0x3F9B] =	sst s1;
	(tag) =	ssettag s2;
	_ =	strace s9  }
0x27: {  	s1 =	sld [smem:$0x3FAB]  }
0x28: {  	s2 =	sld [smem:$0x3FAC]  }
0x29: {  	s4 =	sld [smem:$0x3FAE]  }
0x2a: {  	p0 =	seq.s32 s5, $0x0;
	s5 =	sld [smem:$0x3FAF]  }
0x2b: {  	s6 =	sld [smem:$0x3FB0]  }
0x2c: {  	s7 =	sld [smem:$0x3FB1]  }
0x2d: {  	s3 =	simm.s32 $0x108;
	s8 =	sld [smem:$0x3FB2]  }
0x2e: {  	s3 =	simm.s32 @!p0 $0x1082;
	s9 =	sld [smem:$0x3FB3]  }
0x2f: {  	lr =	sadd.s32 s0, s3;
	s0 =	sld [smem:$0x3FAA]  }
0x30: {  	s3 =	sld [smem:$0x3FAD]  }
0x31: {  	[smem:$0x3FB6] =	sst s10  }
0x32: {  	s10 =	sld [smem:$0x3FB4];
	_ =	sdelay $0x3  }
0x33: {  	p0 =	seq.s32 s10, $0x1;
	s10 =	sld [smem:$0x3FB6];
	_ =	sdelay $0x3  }
0x34: {  	[smem:$0x3FB6] =	sst s10  }
0x35: {  	s10 =	sld [smem:$0x3FB5];
	_ =	sdelay $0x3  }
0x36: {  	p1 =	seq.s32 s10, $0x1;
	s10 =	sld [smem:$0x3FB6];
	_ =	sdelay $0x3  }
0x37: {  	[smem:$0x3FB6] =	sst s10  }
0x38: {  	s10 =	sld [smem:$0x3FB7]  }
0x39: {  	_ = 	snop;
	(pc) =	sbr.ind lr, $3  }
0x3a: {  	_ = 	snop  }
0x3b: {  	_ = 	snop  }
0x3c: {  	p2 =	seq.s32 s10, $0x1;
	s10 =	sld [smem:$0x3FB6]  }
0x3d: {  	_ =	shalt  }
0x3e: {  	_ =	shalt  }
0x3f: {  	_ =	shalt  }
0x40: {  	_ =	shalt  }
0x41: {  	_ =	shalt  }
0x42: {  	_ =	shalt  }
0x43: {  	_ =	shalt  }
0x44: {  	_ =	shalt  }
0x45: {  	_ =	shalt  }
0x46: {  	_ =	shalt  }
0x47: {  	_ =	shalt  }
0x48: {  	_ =	shalt  }
0x49: {  	_ =	shalt  }
0x4a: {  	_ =	shalt  }
0x4b: {  	_ =	shalt  }
0x4c: {  	_ =	shalt  }
0x4d: {  	_ =	shalt  }
0x4e: {  	_ =	shalt  }
0x4f: {  	_ =	shalt  }
0x50: {  	_ =	shalt  }
0x51: {  	_ =	shalt  }
0x52: {  	_ =	shalt  }
0x53: {  	_ =	shalt  }
0x54: {  	_ =	shalt  }
0x55: {  	_ =	shalt  }
0x56: {  	_ =	shalt  }
0x57: {  	_ =	shalt  }
0x58: {  	_ =	shalt  }
0x59: {  	_ =	shalt  }
0x5a: {  	_ =	shalt  }
0x5b: {  	_ =	shalt  }
0x5c: {  	_ =	shalt  }
0x5d: {  	_ =	shalt  }
0x5e: {  	_ =	shalt  }
0x5f: {  	_ =	shalt  }
0x60: {  	_ =	shalt  }
0x61: {  	_ =	shalt  }
0x62: {  	_ =	shalt  }
0x63: {  	_ =	shalt  }
0x64: {  	_ =	shalt  }
0x65: {  	_ =	shalt  }
0x66: {  	_ =	shalt  }
0x67: {  	_ =	shalt  }
0x68: {  	_ =	shalt  }
0x69: {  	_ =	shalt  }
0x6a: {  	_ =	shalt  }
0x6b: {  	_ =	shalt  }
0x6c: {  	_ =	shalt  }
0x6d: {  	_ =	shalt  }
0x6e: {  	_ =	shalt  }
0x6f: {  	_ =	shalt  }
0x70: {  	_ =	shalt  }
0x71: {  	_ =	shalt  }
0x72: {  	_ =	shalt  }
0x73: {  	_ =	shalt  }
0x74: {  	_ =	shalt  }
0x75: {  	_ =	shalt  }
0x76: {  	_ =	shalt  }
0x77: {  	_ =	shalt  }
0x78: {  	_ =	shalt  }
0x79: {  	_ =	shalt  }
0x7a: {  	_ =	shalt  }
0x7b: {  	_ =	shalt  }
0x7c: {  	_ =	shalt  }
0x7d: {  	_ =	shalt  }
0x7e: {  	_ =	shalt  }
0x7f: {  	_ =	shalt  }
0x80: {  	_ =	shalt  }
0x81: {  	_ =	shalt  }
0x82: {  	_ =	shalt  }
0x83: {  	_ =	shalt  }
0x84: {  	_ =	shalt  }
0x85: {  	_ =	shalt  }
0x86: {  	_ =	shalt  }
0x87: {  	_ =	shalt  }
.Lfunc_end0:
.L_simem_size_0:
called_computation_lowered:
.L_overlay_start_0:
0x88: {  	s2 =	sld [smem:$0x3FD9]  }
0x89: {  	s3 =	sld [smem:$0x3FFE];
	_ =	sdelay $0x1  }
0x8a: {  	s1 =	srdreg.scid  }
0x8b: {  	s0 =	sand.u32 $0x1, s1  }
0x8c: {  	s17 =	sshll.u32 s0, $0xA;
	s2 =	sadd.s32 s3, s2  }
0x8d: {  	s2 =	sadd.s32 s2, s17  }
0x8e: {  	[smem:$0x3FC2] =	sst s2  }
0x8f: {  	_ = 	snop  }
0x90: {  	s2 =	sld [smem:$0x3FD0];
	(tm) =	ssettm $0x1  }
0x91: {  	s18 =	sld [smem:$0x3FFB];
	_ =	sdelay $0x3  }
0x92: {  	_ =	strace s18  }
0x93: {  	s3 =	sld [smem:$0x3FFC];
	_ =	sdelay $0x3  }
0x94: {  	_ =	strace s3  }
0x95: {  	s3 =	sld [smem:$0x3FFD];
	_ =	sdelay $0x3  }
0x96: {  	_ =	strace s3  }
0x97: {  	_ =	strace $0x8FFFFFFF  }
0x98: {  	s19 =	sld [smem:$0x3FDB];
	_ =	sdelay $0x1  }
0x99: {  	s4 =	simm.s32 $_scs_section_size  }
0x9a: {  	s5 =	simm.s32 $_size__tile_overlayer_lowered;
	s6 =	simm.s32 $_tile_overlayer_lowered  }
0x9b: {  	s22 =	simm.s32 $0x1BFF;
	s21 =	sshll.u32 s6, $0x1;
	s3 =	sadd.s32 s4, s19  }
0x9c: {  	s7 =	simm.s32 $0x0;
	s20 =	sshll.u32 s5, $0x1;
	s5 =	sadd.s32 s21, s3  }
0x9d: {  	[timem:s7], [sflag:s22] =	dma.local [hbm:s5], s20  }
0x9e: {  	_ =	swait.ge [sflag:s22], s20  }
0x9f: {  	s4 =	ssub.s32 $0x0, s20;
	[sflag:s22] =	ssyncset.done $0x0  }
0xa0: {  	[sflag:s22] =	ssyncadd.s32 s4;
	_ =	sdelay $0x1  }
0xa1: {  	s23 =	simm.s32 $0x1B8B  }
0xa2: {  	_ =	swait.ge [sflag:s23], $0x1  }
0xa3: {  	[sflag:s23] =	ssyncset.done $0x0  }
0xa4: {  	s25 =	simm.s32 $0x1B8E;
	s24 =	sld [smem:$0x3FFE];
	[sflag:s23] =	ssyncadd.s32 $0xFFFFFFFF  }
0xa5: {  	s26 =	simm.s32 $execute0_lowered;
	[smem:$0x3FD2] =	sst s25  }
0xa6: {  	s5 =	sshll.u32 s26, $0x1;
	_ =	strace $0x80000046;
	[dreg:$0x1] =	wrdreg $0xFFFFFFFF  }
0xa7: {  	s28 =	simm.s32 $_size_execute0_lowered;
	s3 =	sadd.s32 s3, s5;
	[dreg:$0x0] =	wrdreg $0x0  }
0xa8: {  	s5 =	sshll.u32 s28, $0x1;
	[dreg:$0x2] =	wrdreg s3  }
0xa9: {  	[dreg:$0x3] =	wrdreg s5  }
0xaa: {  	[dreg:$0x4] =	wrdreg $0xC0  }
0xab: {  	_ =	task [dreg:s7], $0x5FFFF  }
0xac: {  	[dreg:$0x1] =	wrdreg $0xFFFFFFFF  }
0xad: {  	[dreg:$0x0] =	wrdreg $0x60  }
0xae: {  	[dreg:$0x2] =	wrdreg s24  }
0xaf: {  	[dreg:$0x3] =	wrdreg s2  }
0xb0: {  	[dreg:$0x4] =	wrdreg $0x9  }
0xb1: {  	_ =	task.clear_ibuf [dreg:s7], $0x5FFFF;
	_ =	strace $0x90000046  }
0xb2: {  	s29 =	simm.s32 $0x9;
	_ =	strace $0x80000048  }
0xb3: {  	_ =	swait.ge [sflag:s29], $0x1  }
0xb4: {  	[sflag:s29] =	ssyncadd.s32 $0xFFFFFFFF  }
0xb5: {  	_ =	strace $0x90000048  }
0xb6: {  	_ =	sfence  }
0xb7: {  	s30 =	sld [smem:$0x0];
	_ =	sdelay $0x2  }
0xb8: {  	s31 =	sshll.u32 s1, $0xD;
	s1 =	sshrl.u32 s1, $0x2  }
0xb9: {  	s3 =	sand.u32 $0x4000, s31;
	s1 =	sadd.s32 s1, s30  }
0xba: {  	s0 =	sor.u32 s3, s0;
	s1 =	sshll.u32 s1, $0x11  }
0xbb: {  	s0 =	sor.u32 s1, s0  }
0xbc: {  	s0 =	sadd.s32 $0x8F2B, s0  }
0xbd: {  	[sflag:s0] =	ssyncadd.remote.s32 $0x1  }
0xbe: {  	_ =	sfence.sel $0xFFFF  }
0xbf: {  	[dreg:$0x0] =	wrdreg $0xFFFFFFFF;
	(pc) =	sbr.abs _section_cstart, $3  }
0xc0: {  	[dreg:$0x1] =	wrdreg $0xFFFFFFFF  }
0xc1: {  	_ =	task.clear_ibuf [dreg:s7], $0x2FFFF;
	_ =	strace $0x9FFFFFFF  }
0xc2: {  	(tm) =	ssettm $0x7FFFFFFF  }
0xc3: {  	_ =	shalt  }
tec
execute0_lowered:
.L_overlay_start_1:
0x0: {  	(tag) =	ssettag $0x1  }
0x1: {  	s1 =	srdreg.scid;
	s0 =	stileid.u32  }
0x2: {  	s26 =	sand.u32 $0x1, s1;
	s29 =	sshll.u32 s0, $0x1  }
0x3: {  	s8 =	rddreg [dreg:$0x0];
	s9 =	sor.u32 s26, s29  }
0x4: {  	s25 =	rddreg [dreg:$0x1];
	s28 =	smul.u32 $0x1900, s9  }
0x5: {  	s2 =	simm.s32 $0x0;
	s1 =	rddreg [dreg:$0x2]  }
0x6: {  	[smem:$0x7FF] =	sst s2;
	s3 =	sshrl.u32 s28, $0x3  }
0x7: {  	_ =	strace $0x80000047;
	s4 =	sadd.s32 s25, s3;
	s3 =	simm.s32 $0x2  }
0x8: {  	[tilespmem:s2], [sflag:$0x2] =	stream.linear.gather [hbm4b:s4+s2], $0x280, $0x38;
	[tilespmem:$0x14280] =	vst v63  }
0x9: {  	_ =	swait.ge [sflag:s3], $0x280  }
0xa: {  	s6 =	simm.s32 $0x280;
	[sflag:s3] =	ssyncset.done $0x0  }
0xb: {  	s7 =	simm.s32 $0x1;
	s5 =	sadd.s32 $0x2200, s8;
	[sflag:s3] =	ssyncadd.s32 $0xFFFFFD80  }
0xc: {  	[tilespmem:s6], [sflag:$0x1] =	stream.indirect.gather [hbm4b:s5+s6], $0x80, s2, s6, $0xb8;
	[tilespmem:$0x14280] =	vst v63  }
0xd: {  	s9 =	smul.u32 $0x19000, s9;
	_ =	swait.ge [sflag:s7], $0x14000  }
0xe: {  	s29 =	sadd.s32 $0x52200, s8;
	[sflag:s7] =	ssyncset.done $0x0  }
0xf: {  	s8 =	sadd.s32 s29, s9;
	[sflag:s7] =	ssyncadd.s32 $0xFFFEC000  }
0x10: {  	[hbm4b:s8+s2] =	stream.linear.scatter [tilespmem:s6], [sflag:$0x2], $0x14000, $0x38;
	[tilespmem:$0x14280] =	vst v63  }
0x11: {  	s10 =	sadd.s32 $0x280, s28;
	_ =	swait.ge [sflag:s3], $0x14000  }
0x12: {  	s30 =	sshrl.u32 s10, $0x3;
	[sflag:s3] =	ssyncset.done $0x0  }
0x13: {  	s9 =	sadd.s32 s25, s30;
	[sflag:s3] =	ssyncadd.s32 $0xFFFEC000  }
0x14: {  	[tilespmem:s2], [sflag:$0x2] =	stream.linear.gather [hbm4b:s9+s2], $0x280, $0x38;
	[tilespmem:$0x14280] =	vst v63  }
0x15: {  	_ =	swait.ge [sflag:s3], $0x280  }
0x16: {  	[sflag:s3] =	ssyncset.done $0x0  }
0x17: {  	[sflag:s3] =	ssyncadd.s32 $0xFFFFFD80  }
0x18: {  	[tilespmem:s6], [sflag:$0x1] =	stream.indirect.gather [hbm4b:s5+s6], $0x80, s2, s6, $0xb8;
	[tilespmem:$0x14280] =	vst v63  }
0x19: {  	_ =	swait.ge [sflag:s7], $0x14000  }
0x1a: {  	s10 =	sshll.u32 s10, $0x4;
	[sflag:s7] =	ssyncset.done $0x0  }
0x1b: {  	s10 =	sadd.s32 s29, s10;
	[sflag:s7] =	ssyncadd.s32 $0xFFFEC000  }
0x1c: {  	[hbm4b:s10+s2] =	stream.linear.scatter [tilespmem:s6], [sflag:$0x2], $0x14000, $0x38;
	[tilespmem:$0x14280] =	vst v63  }
0x1d: {  	s12 =	sadd.s32 $0x500, s28;
	_ =	swait.ge [sflag:s3], $0x14000  }
0x1e: {  	s11 =	sshrl.u32 s12, $0x3;
	[sflag:s3] =	ssyncset.done $0x0  }
0x1f: {  	s11 =	sadd.s32 s25, s11;
	[sflag:s3] =	ssyncadd.s32 $0xFFFEC000  }
0x20: {  	[tilespmem:s2], [sflag:$0x2] =	stream.linear.gather [hbm4b:s11+s2], $0x280, $0x38;
	[tilespmem:$0x14280] =	vst v63  }
0x21: {  	_ =	swait.ge [sflag:s3], $0x280  }
0x22: {  	[sflag:s3] =	ssyncset.done $0x0  }
0x23: {  	[sflag:s3] =	ssyncadd.s32 $0xFFFFFD80  }
0x24: {  	[tilespmem:s6], [sflag:$0x1] =	stream.indirect.gather [hbm4b:s5+s6], $0x80, s2, s6, $0xb8;
	[tilespmem:$0x14280] =	vst v63  }
0x25: {  	_ =	swait.ge [sflag:s7], $0x14000  }
0x26: {  	s12 =	sshll.u32 s12, $0x4;
	[sflag:s7] =	ssyncset.done $0x0  }
0x27: {  	s12 =	sadd.s32 s29, s12;
	[sflag:s7] =	ssyncadd.s32 $0xFFFEC000  }
0x28: {  	[hbm4b:s12+s2] =	stream.linear.scatter [tilespmem:s6], [sflag:$0x2], $0x14000, $0x38;
	[tilespmem:$0x14280] =	vst v63  }
0x29: {  	s14 =	sadd.s32 $0x780, s28;
	_ =	swait.ge [sflag:s3], $0x14000  }
0x2a: {  	s13 =	sshrl.u32 s14, $0x3;
	[sflag:s3] =	ssyncset.done $0x0  }
0x2b: {  	s13 =	sadd.s32 s25, s13;
	[sflag:s3] =	ssyncadd.s32 $0xFFFEC000  }
0x2c: {  	[tilespmem:s2], [sflag:$0x2] =	stream.linear.gather [hbm4b:s13+s2], $0x280, $0x38;
	[tilespmem:$0x14280] =	vst v63  }
0x2d: {  	_ =	swait.ge [sflag:s3], $0x280  }
0x2e: {  	[sflag:s3] =	ssyncset.done $0x0  }
0x2f: {  	[sflag:s3] =	ssyncadd.s32 $0xFFFFFD80  }
0x30: {  	[tilespmem:s6], [sflag:$0x1] =	stream.indirect.gather [hbm4b:s5+s6], $0x80, s2, s6, $0xb8;
	[tilespmem:$0x14280] =	vst v63  }
0x31: {  	_ =	swait.ge [sflag:s7], $0x14000  }
0x32: {  	s14 =	sshll.u32 s14, $0x4;
	[sflag:s7] =	ssyncset.done $0x0  }
0x33: {  	s14 =	sadd.s32 s29, s14;
	[sflag:s7] =	ssyncadd.s32 $0xFFFEC000  }
0x34: {  	[hbm4b:s14+s2] =	stream.linear.scatter [tilespmem:s6], [sflag:$0x2], $0x14000, $0x38;
	[tilespmem:$0x14280] =	vst v63  }
0x35: {  	s16 =	sadd.s32 $0xA00, s28;
	_ =	swait.ge [sflag:s3], $0x14000  }
0x36: {  	s15 =	sshrl.u32 s16, $0x3;
	[sflag:s3] =	ssyncset.done $0x0  }
0x37: {  	s15 =	sadd.s32 s25, s15;
	[sflag:s3] =	ssyncadd.s32 $0xFFFEC000  }
0x38: {  	[tilespmem:s2], [sflag:$0x2] =	stream.linear.gather [hbm4b:s15+s2], $0x280, $0x38;
	[tilespmem:$0x14280] =	vst v63  }
0x39: {  	_ =	swait.ge [sflag:s3], $0x280  }
0x3a: {  	[sflag:s3] =	ssyncset.done $0x0  }
0x3b: {  	[sflag:s3] =	ssyncadd.s32 $0xFFFFFD80  }
0x3c: {  	[tilespmem:s6], [sflag:$0x1] =	stream.indirect.gather [hbm4b:s5+s6], $0x80, s2, s6, $0xb8;
	[tilespmem:$0x14280] =	vst v63  }
0x3d: {  	_ =	swait.ge [sflag:s7], $0x14000  }
0x3e: {  	s16 =	sshll.u32 s16, $0x4;
	[sflag:s7] =	ssyncset.done $0x0  }
0x3f: {  	s16 =	sadd.s32 s29, s16;
	[sflag:s7] =	ssyncadd.s32 $0xFFFEC000  }
0x40: {  	[hbm4b:s16+s2] =	stream.linear.scatter [tilespmem:s6], [sflag:$0x2], $0x14000, $0x38;
	[tilespmem:$0x14280] =	vst v63  }
0x41: {  	s18 =	sadd.s32 $0xC80, s28;
	_ =	swait.ge [sflag:s3], $0x14000  }
0x42: {  	s17 =	sshrl.u32 s18, $0x3;
	[sflag:s3] =	ssyncset.done $0x0  }
0x43: {  	s17 =	sadd.s32 s25, s17;
	[sflag:s3] =	ssyncadd.s32 $0xFFFEC000  }
0x44: {  	[tilespmem:s2], [sflag:$0x2] =	stream.linear.gather [hbm4b:s17+s2], $0x280, $0x38;
	[tilespmem:$0x14280] =	vst v63  }
0x45: {  	_ =	swait.ge [sflag:s3], $0x280  }
0x46: {  	[sflag:s3] =	ssyncset.done $0x0  }
0x47: {  	[sflag:s3] =	ssyncadd.s32 $0xFFFFFD80  }
0x48: {  	[tilespmem:s6], [sflag:$0x1] =	stream.indirect.gather [hbm4b:s5+s6], $0x80, s2, s6, $0xb8;
	[tilespmem:$0x14280] =	vst v63  }
0x49: {  	_ =	swait.ge [sflag:s7], $0x14000  }
0x4a: {  	s18 =	sshll.u32 s18, $0x4;
	[sflag:s7] =	ssyncset.done $0x0  }
0x4b: {  	s18 =	sadd.s32 s29, s18;
	[sflag:s7] =	ssyncadd.s32 $0xFFFEC000  }
0x4c: {  	[hbm4b:s18+s2] =	stream.linear.scatter [tilespmem:s6], [sflag:$0x2], $0x14000, $0x38;
	[tilespmem:$0x14280] =	vst v63  }
0x4d: {  	s20 =	sadd.s32 $0xF00, s28;
	_ =	swait.ge [sflag:s3], $0x14000  }
0x4e: {  	s19 =	sshrl.u32 s20, $0x3;
	[sflag:s3] =	ssyncset.done $0x0  }
0x4f: {  	s19 =	sadd.s32 s25, s19;
	[sflag:s3] =	ssyncadd.s32 $0xFFFEC000  }
0x50: {  	[tilespmem:s2], [sflag:$0x2] =	stream.linear.gather [hbm4b:s19+s2], $0x280, $0x38;
	[tilespmem:$0x14280] =	vst v63  }
0x51: {  	_ =	swait.ge [sflag:s3], $0x280  }
0x52: {  	[sflag:s3] =	ssyncset.done $0x0  }
0x53: {  	[sflag:s3] =	ssyncadd.s32 $0xFFFFFD80  }
0x54: {  	[tilespmem:s6], [sflag:$0x1] =	stream.indirect.gather [hbm4b:s5+s6], $0x80, s2, s6, $0xb8;
	[tilespmem:$0x14280] =	vst v63  }
0x55: {  	_ =	swait.ge [sflag:s7], $0x14000  }
0x56: {  	s20 =	sshll.u32 s20, $0x4;
	[sflag:s7] =	ssyncset.done $0x0  }
0x57: {  	s20 =	sadd.s32 s29, s20;
	[sflag:s7] =	ssyncadd.s32 $0xFFFEC000  }
0x58: {  	[hbm4b:s20+s2] =	stream.linear.scatter [tilespmem:s6], [sflag:$0x2], $0x14000, $0x38;
	[tilespmem:$0x14280] =	vst v63  }
0x59: {  	s22 =	sadd.s32 $0x1180, s28;
	_ =	swait.ge [sflag:s3], $0x14000  }
0x5a: {  	s21 =	sshrl.u32 s22, $0x3;
	[sflag:s3] =	ssyncset.done $0x0  }
0x5b: {  	s21 =	sadd.s32 s25, s21;
	[sflag:s3] =	ssyncadd.s32 $0xFFFEC000  }
0x5c: {  	[tilespmem:s2], [sflag:$0x2] =	stream.linear.gather [hbm4b:s21+s2], $0x280, $0x38;
	[tilespmem:$0x14280] =	vst v63  }
0x5d: {  	_ =	swait.ge [sflag:s3], $0x280  }
0x5e: {  	[sflag:s3] =	ssyncset.done $0x0  }
0x5f: {  	[sflag:s3] =	ssyncadd.s32 $0xFFFFFD80  }
0x60: {  	[tilespmem:s6], [sflag:$0x1] =	stream.indirect.gather [hbm4b:s5+s6], $0x80, s2, s6, $0xb8;
	[tilespmem:$0x14280] =	vst v63  }
0x61: {  	_ =	swait.ge [sflag:s7], $0x14000  }
0x62: {  	s22 =	sshll.u32 s22, $0x4;
	[sflag:s7] =	ssyncset.done $0x0  }
0x63: {  	s22 =	sadd.s32 s29, s22;
	[sflag:s7] =	ssyncadd.s32 $0xFFFEC000  }
0x64: {  	[hbm4b:s22+s2] =	stream.linear.scatter [tilespmem:s6], [sflag:$0x2], $0x14000, $0x38;
	[tilespmem:$0x14280] =	vst v63  }
0x65: {  	s24 =	sadd.s32 $0x1400, s28;
	_ =	swait.ge [sflag:s3], $0x14000  }
0x66: {  	s23 =	sshrl.u32 s24, $0x3;
	[sflag:s3] =	ssyncset.done $0x0  }
0x67: {  	s23 =	sadd.s32 s25, s23;
	[sflag:s3] =	ssyncadd.s32 $0xFFFEC000  }
0x68: {  	[tilespmem:s2], [sflag:$0x2] =	stream.linear.gather [hbm4b:s23+s2], $0x280, $0x38;
	[tilespmem:$0x14280] =	vst v63  }
0x69: {  	_ =	swait.ge [sflag:s3], $0x280  }
0x6a: {  	[sflag:s3] =	ssyncset.done $0x0  }
0x6b: {  	[sflag:s3] =	ssyncadd.s32 $0xFFFFFD80  }
0x6c: {  	[tilespmem:s6], [sflag:$0x1] =	stream.indirect.gather [hbm4b:s5+s6], $0x80, s2, s6, $0xb8;
	[tilespmem:$0x14280] =	vst v63  }
0x6d: {  	_ =	swait.ge [sflag:s7], $0x14000  }
0x6e: {  	s24 =	sshll.u32 s24, $0x4;
	[sflag:s7] =	ssyncset.done $0x0  }
0x6f: {  	s24 =	sadd.s32 s29, s24;
	[sflag:s7] =	ssyncadd.s32 $0xFFFEC000  }
0x70: {  	[hbm4b:s24+s2] =	stream.linear.scatter [tilespmem:s6], [sflag:$0x2], $0x14000, $0x38;
	[tilespmem:$0x14280] =	vst v63  }
0x71: {  	s28 =	sadd.s32 $0x1680, s28;
	_ =	swait.ge [sflag:s3], $0x14000  }
0x72: {  	s30 =	sshrl.u32 s28, $0x3;
	[sflag:s3] =	ssyncset.done $0x0  }
0x73: {  	s26 =	ssub.s32 $0x2, s26;
	s25 =	sadd.s32 s25, s30;
	[sflag:s3] =	ssyncadd.s32 $0xFFFEC000  }
0x74: {  	[tilespmem:s2], [sflag:$0x2] =	stream.linear.gather [hbm4b:s25+s2], $0x280, $0x38;
	[tilespmem:$0x14280] =	vst v63  }
0x75: {  	s31 =	sshrl.u32 s26, $0x1;
	_ =	swait.ge [sflag:s3], $0x280  }
0x76: {  	s30 =	ssub.s32 s26, s31;
	[sflag:s3] =	ssyncset.done $0x0  }
0x77: {  	s31 =	sshll.u32 s28, $0x4;
	s28 =	smax.u32 s30, $0x1;
	[sflag:s3] =	ssyncadd.s32 $0xFFFFFD80  }
0x78: {  	[tilespmem:s6], [sflag:$0x1] =	stream.indirect.gather [hbm4b:s5+s6], $0x80, s2, s6, $0xb8;
	[tilespmem:$0x14280] =	vst v63  }
0x79: {  	p0 =	sne.s32 s28, $0x1;
	_ =	swait.ge [sflag:s7], $0x14000  }
.Ltmp0:
0x7a: {  	[sflag:s7] =	ssyncset.done $0x0;
	(pc) =	sbr.rel @!p0 .LBB2_2-.Ltmp0, $4  }
0x7b: {  	s26 =	sadd.s32 s29, s31;
	[sflag:s7] =	ssyncadd.s32 $0xFFFEC000  }
0x7c: {  	[hbm4b:s26+s2] =	stream.linear.scatter [tilespmem:s6], [sflag:$0x2], $0x14000, $0x38;
	[tilespmem:$0x14280] =	vst v63  }
0x7d: {  	_ =	swait.ge [sflag:s3], $0x14000  }
0x7e: {  	s28 =	sadd.s32 $0xFFFFFFFF, s28;
	[sflag:s3] =	ssyncset.done $0x0  }
.LBB2_1:
0x7f: {  	p0 =	sne.s32 s28, $0x1;
	s28 =	sadd.s32 $0xFFFFFFFF, s28;
	[sflag:s3] =	ssyncadd.s32 $0xFFFEC000  }
0x80: {  	[tilespmem:s2], [sflag:$0x2] =	stream.linear.gather [hbm4b:s4+s2], $0x280, $0x38;
	[tilespmem:$0x14280] =	vst v63  }
0x81: {  	_ =	swait.ge [sflag:s3], $0x280  }
0x82: {  	[sflag:s3] =	ssyncset.done $0x0  }
0x83: {  	[sflag:s3] =	ssyncadd.s32 $0xFFFFFD80  }
0x84: {  	[tilespmem:s6], [sflag:$0x1] =	stream.indirect.gather [hbm4b:s5+s6], $0x80, s2, s6, $0xb8;
	[tilespmem:$0x14280] =	vst v63  }
0x85: {  	_ =	swait.ge [sflag:s7], $0x14000  }
0x86: {  	[sflag:s7] =	ssyncset.done $0x0  }
0x87: {  	[sflag:s7] =	ssyncadd.s32 $0xFFFEC000  }
0x88: {  	[hbm4b:s8+s2] =	stream.linear.scatter [tilespmem:s6], [sflag:$0x2], $0x14000, $0x38;
	[tilespmem:$0x14280] =	vst v63  }
0x89: {  	_ =	swait.ge [sflag:s3], $0x14000  }
0x8a: {  	[sflag:s3] =	ssyncset.done $0x0  }
0x8b: {  	[sflag:s3] =	ssyncadd.s32 $0xFFFEC000  }
0x8c: {  	[tilespmem:s2], [sflag:$0x2] =	stream.linear.gather [hbm4b:s9+s2], $0x280, $0x38;
	[tilespmem:$0x14280] =	vst v63  }
0x8d: {  	_ =	swait.ge [sflag:s3], $0x280  }
0x8e: {  	[sflag:s3] =	ssyncset.done $0x0  }
0x8f: {  	[sflag:s3] =	ssyncadd.s32 $0xFFFFFD80  }
0x90: {  	[tilespmem:s6], [sflag:$0x1] =	stream.indirect.gather [hbm4b:s5+s6], $0x80, s2, s6, $0xb8;
	[tilespmem:$0x14280] =	vst v63  }
0x91: {  	_ =	swait.ge [sflag:s7], $0x14000  }
0x92: {  	[sflag:s7] =	ssyncset.done $0x0  }
0x93: {  	[sflag:s7] =	ssyncadd.s32 $0xFFFEC000  }
0x94: {  	[hbm4b:s10+s2] =	stream.linear.scatter [tilespmem:s6], [sflag:$0x2], $0x14000, $0x38;
	[tilespmem:$0x14280] =	vst v63  }
0x95: {  	_ =	swait.ge [sflag:s3], $0x14000  }
0x96: {  	[sflag:s3] =	ssyncset.done $0x0  }
0x97: {  	[sflag:s3] =	ssyncadd.s32 $0xFFFEC000  }
0x98: {  	[tilespmem:s2], [sflag:$0x2] =	stream.linear.gather [hbm4b:s11+s2], $0x280, $0x38;
	[tilespmem:$0x14280] =	vst v63  }
0x99: {  	_ =	swait.ge [sflag:s3], $0x280  }
0x9a: {  	[sflag:s3] =	ssyncset.done $0x0  }
0x9b: {  	[sflag:s3] =	ssyncadd.s32 $0xFFFFFD80  }
0x9c: {  	[tilespmem:s6], [sflag:$0x1] =	stream.indirect.gather [hbm4b:s5+s6], $0x80, s2, s6, $0xb8;
	[tilespmem:$0x14280] =	vst v63  }
0x9d: {  	_ =	swait.ge [sflag:s7], $0x14000  }
0x9e: {  	[sflag:s7] =	ssyncset.done $0x0  }
0x9f: {  	[sflag:s7] =	ssyncadd.s32 $0xFFFEC000  }
0xa0: {  	[hbm4b:s12+s2] =	stream.linear.scatter [tilespmem:s6], [sflag:$0x2], $0x14000, $0x38;
	[tilespmem:$0x14280] =	vst v63  }
0xa1: {  	_ =	swait.ge [sflag:s3], $0x14000  }
0xa2: {  	[sflag:s3] =	ssyncset.done $0x0  }
0xa3: {  	[sflag:s3] =	ssyncadd.s32 $0xFFFEC000  }
0xa4: {  	[tilespmem:s2], [sflag:$0x2] =	stream.linear.gather [hbm4b:s13+s2], $0x280, $0x38;
	[tilespmem:$0x14280] =	vst v63  }
0xa5: {  	_ =	swait.ge [sflag:s3], $0x280  }
0xa6: {  	[sflag:s3] =	ssyncset.done $0x0  }
0xa7: {  	[sflag:s3] =	ssyncadd.s32 $0xFFFFFD80  }
0xa8: {  	[tilespmem:s6], [sflag:$0x1] =	stream.indirect.gather [hbm4b:s5+s6], $0x80, s2, s6, $0xb8;
	[tilespmem:$0x14280] =	vst v63  }
0xa9: {  	_ =	swait.ge [sflag:s7], $0x14000  }
0xaa: {  	[sflag:s7] =	ssyncset.done $0x0  }
0xab: {  	[sflag:s7] =	ssyncadd.s32 $0xFFFEC000  }
0xac: {  	[hbm4b:s14+s2] =	stream.linear.scatter [tilespmem:s6], [sflag:$0x2], $0x14000, $0x38;
	[tilespmem:$0x14280] =	vst v63  }
0xad: {  	_ =	swait.ge [sflag:s3], $0x14000  }
0xae: {  	[sflag:s3] =	ssyncset.done $0x0  }
0xaf: {  	[sflag:s3] =	ssyncadd.s32 $0xFFFEC000  }
0xb0: {  	[tilespmem:s2], [sflag:$0x2] =	stream.linear.gather [hbm4b:s15+s2], $0x280, $0x38;
	[tilespmem:$0x14280] =	vst v63  }
0xb1: {  	_ =	swait.ge [sflag:s3], $0x280  }
0xb2: {  	[sflag:s3] =	ssyncset.done $0x0  }
0xb3: {  	[sflag:s3] =	ssyncadd.s32 $0xFFFFFD80  }
0xb4: {  	[tilespmem:s6], [sflag:$0x1] =	stream.indirect.gather [hbm4b:s5+s6], $0x80, s2, s6, $0xb8;
	[tilespmem:$0x14280] =	vst v63  }
0xb5: {  	_ =	swait.ge [sflag:s7], $0x14000  }
0xb6: {  	[sflag:s7] =	ssyncset.done $0x0  }
0xb7: {  	[sflag:s7] =	ssyncadd.s32 $0xFFFEC000  }
0xb8: {  	[hbm4b:s16+s2] =	stream.linear.scatter [tilespmem:s6], [sflag:$0x2], $0x14000, $0x38;
	[tilespmem:$0x14280] =	vst v63  }
0xb9: {  	_ =	swait.ge [sflag:s3], $0x14000  }
0xba: {  	[sflag:s3] =	ssyncset.done $0x0  }
0xbb: {  	[sflag:s3] =	ssyncadd.s32 $0xFFFEC000  }
0xbc: {  	[tilespmem:s2], [sflag:$0x2] =	stream.linear.gather [hbm4b:s17+s2], $0x280, $0x38;
	[tilespmem:$0x14280] =	vst v63  }
0xbd: {  	_ =	swait.ge [sflag:s3], $0x280  }
0xbe: {  	[sflag:s3] =	ssyncset.done $0x0  }
0xbf: {  	[sflag:s3] =	ssyncadd.s32 $0xFFFFFD80  }
0xc0: {  	[tilespmem:s6], [sflag:$0x1] =	stream.indirect.gather [hbm4b:s5+s6], $0x80, s2, s6, $0xb8;
	[tilespmem:$0x14280] =	vst v63  }
0xc1: {  	_ =	swait.ge [sflag:s7], $0x14000  }
0xc2: {  	[sflag:s7] =	ssyncset.done $0x0  }
0xc3: {  	[sflag:s7] =	ssyncadd.s32 $0xFFFEC000  }
0xc4: {  	[hbm4b:s18+s2] =	stream.linear.scatter [tilespmem:s6], [sflag:$0x2], $0x14000, $0x38;
	[tilespmem:$0x14280] =	vst v63  }
0xc5: {  	_ =	swait.ge [sflag:s3], $0x14000  }
0xc6: {  	[sflag:s3] =	ssyncset.done $0x0  }
0xc7: {  	[sflag:s3] =	ssyncadd.s32 $0xFFFEC000  }
0xc8: {  	[tilespmem:s2], [sflag:$0x2] =	stream.linear.gather [hbm4b:s19+s2], $0x280, $0x38;
	[tilespmem:$0x14280] =	vst v63  }
0xc9: {  	_ =	swait.ge [sflag:s3], $0x280  }
0xca: {  	[sflag:s3] =	ssyncset.done $0x0  }
0xcb: {  	[sflag:s3] =	ssyncadd.s32 $0xFFFFFD80  }
0xcc: {  	[tilespmem:s6], [sflag:$0x1] =	stream.indirect.gather [hbm4b:s5+s6], $0x80, s2, s6, $0xb8;
	[tilespmem:$0x14280] =	vst v63  }
0xcd: {  	_ =	swait.ge [sflag:s7], $0x14000  }
0xce: {  	[sflag:s7] =	ssyncset.done $0x0  }
0xcf: {  	[sflag:s7] =	ssyncadd.s32 $0xFFFEC000  }
0xd0: {  	[hbm4b:s20+s2] =	stream.linear.scatter [tilespmem:s6], [sflag:$0x2], $0x14000, $0x38;
	[tilespmem:$0x14280] =	vst v63  }
0xd1: {  	_ =	swait.ge [sflag:s3], $0x14000  }
0xd2: {  	[sflag:s3] =	ssyncset.done $0x0  }
0xd3: {  	[sflag:s3] =	ssyncadd.s32 $0xFFFEC000  }
0xd4: {  	[tilespmem:s2], [sflag:$0x2] =	stream.linear.gather [hbm4b:s21+s2], $0x280, $0x38;
	[tilespmem:$0x14280] =	vst v63  }
0xd5: {  	_ =	swait.ge [sflag:s3], $0x280  }
0xd6: {  	[sflag:s3] =	ssyncset.done $0x0  }
0xd7: {  	[sflag:s3] =	ssyncadd.s32 $0xFFFFFD80  }
0xd8: {  	[tilespmem:s6], [sflag:$0x1] =	stream.indirect.gather [hbm4b:s5+s6], $0x80, s2, s6, $0xb8;
	[tilespmem:$0x14280] =	vst v63  }
0xd9: {  	_ =	swait.ge [sflag:s7], $0x14000  }
0xda: {  	[sflag:s7] =	ssyncset.done $0x0  }
0xdb: {  	[sflag:s7] =	ssyncadd.s32 $0xFFFEC000  }
0xdc: {  	[hbm4b:s22+s2] =	stream.linear.scatter [tilespmem:s6], [sflag:$0x2], $0x14000, $0x38;
	[tilespmem:$0x14280] =	vst v63  }
0xdd: {  	_ =	swait.ge [sflag:s3], $0x14000  }
0xde: {  	[sflag:s3] =	ssyncset.done $0x0  }
0xdf: {  	[sflag:s3] =	ssyncadd.s32 $0xFFFEC000  }
0xe0: {  	[tilespmem:s2], [sflag:$0x2] =	stream.linear.gather [hbm4b:s23+s2], $0x280, $0x38;
	[tilespmem:$0x14280] =	vst v63  }
0xe1: {  	_ =	swait.ge [sflag:s3], $0x280  }
0xe2: {  	[sflag:s3] =	ssyncset.done $0x0  }
0xe3: {  	[sflag:s3] =	ssyncadd.s32 $0xFFFFFD80  }
0xe4: {  	[tilespmem:s6], [sflag:$0x1] =	stream.indirect.gather [hbm4b:s5+s6], $0x80, s2, s6, $0xb8;
	[tilespmem:$0x14280] =	vst v63  }
0xe5: {  	_ =	swait.ge [sflag:s7], $0x14000  }
0xe6: {  	[sflag:s7] =	ssyncset.done $0x0  }
0xe7: {  	[sflag:s7] =	ssyncadd.s32 $0xFFFEC000  }
0xe8: {  	[hbm4b:s24+s2] =	stream.linear.scatter [tilespmem:s6], [sflag:$0x2], $0x14000, $0x38;
	[tilespmem:$0x14280] =	vst v63  }
0xe9: {  	_ =	swait.ge [sflag:s3], $0x14000  }
0xea: {  	[sflag:s3] =	ssyncset.done $0x0  }
0xeb: {  	[sflag:s3] =	ssyncadd.s32 $0xFFFEC000  }
0xec: {  	[tilespmem:s2], [sflag:$0x2] =	stream.linear.gather [hbm4b:s25+s2], $0x280, $0x38;
	[tilespmem:$0x14280] =	vst v63  }
0xed: {  	_ =	swait.ge [sflag:s3], $0x280  }
0xee: {  	[sflag:s3] =	ssyncset.done $0x0  }
0xef: {  	[sflag:s3] =	ssyncadd.s32 $0xFFFFFD80  }
0xf0: {  	[tilespmem:s6], [sflag:$0x1] =	stream.indirect.gather [hbm4b:s5+s6], $0x80, s2, s6, $0xb8;
	[tilespmem:$0x14280] =	vst v63  }
0xf1: {  	_ =	swait.ge [sflag:s7], $0x14000  }
.Ltmp1:
0xf2: {  	[sflag:s7] =	ssyncset.done $0x0;
	(pc) =	sbr.rel @p0 .LBB2_1-.Ltmp1, $4  }
0xf3: {  	[sflag:s7] =	ssyncadd.s32 $0xFFFEC000  }
0xf4: {  	[hbm4b:s26+s2] =	stream.linear.scatter [tilespmem:s6], [sflag:$0x2], $0x14000, $0x38;
	[tilespmem:$0x14280] =	vst v63  }
0xf5: {  	_ =	swait.ge [sflag:s3], $0x14000  }
0xf6: {  	[sflag:s3] =	ssyncset.done $0x0  }
.LBB2_2:
0xf7: {  	[sflag:s3] =	ssyncadd.s32 $0xFFFEC000  }
0xf8: {  	_ =	sfence.sel $0x180000  }
0xf9: {  	[bflag:$0x0] =	sbarrier.arrive $0xFFFF  }
0xfa: {  	p0 =	sne.s32 s0, $0x0;
	_ =	strace $0x90000047  }
0xfb: {  	s0 =	sadd.s32 @!p0 $0x100000, s1;
	[bflag:$0x2] =	sbarrier.arrive $0xFFFF  }
0xfc: {  	[sflag:s0] =	ssyncadd.tile.s32 @!p0 $0x1;
	_ =	shalt  }
.Lfunc_end2:
_tile_overlayer_lowered:
.L_overlay_start_2:
0xfd: {  	(tag) =	ssettag $0x2  }
0xfe: {  	s0 =	rddreg [dreg:$0x0];
	s2 =	stileid.u32  }
0xff: {  	s1 =	rddreg [dreg:$0x1];
	p0 =	sne.s32 s2, $0x0  }
0x100: {  	s3 =	rddreg [dreg:$0x2];
	[bflag:$0x3] =	sbarrier.arrive $0xFFFF;
	s2 =	simm.s32 @!p0 $0x1C02  }
0x101: {  	[timem:s3], [sflag:s2] =	dma.local @!p0 [hbm:s0], s1  }
0x102: {  	s0 =	simm.s32 @!p0 $0x2  }
0x103: {  	_ =	swait.ge @!p0 [sflag:s0], s1  }
0x104: {  	s1 =	ssub.s32 @!p0 $0x0, s1;
	[sflag:s0] =	ssyncset.done @!p0 $0x0  }
0x105: {  	[sflag:s0] =	ssyncadd.s32 @!p0 s1  }
0x106: {  	[bflag:$0x3] =	sbarrier.arrive $0xFFFF  }
0x107: {  	_ =	shalt  }

</sc_bundles>
